<compile_context>
chip_gen: v7x
topology: tpu7x:2x2x1
jax: 0.10.2.dev20260603
libtpu: 0.0.44.dev20260713+nightly
codegen_flags: <defaults>
</compile_context>

<pallas_src>
import functools

import jax
import jax.numpy as jnp
from jax import lax
from jax.experimental import pallas as pl
from jax.experimental.pallas import tpu as pltpu
from jax.experimental.pallas import tpu_sc as plsc

N_NODES = 10000
N_EDGES = 320000
D_FEAT = 128

NC = 2
NS = 16
NW = NC * NS

CHUNK = 128
EPW = N_EDGES // NW
NCHUNK = EPW // CHUNK
REM = EPW - NCHUNK * CHUNK
NPT = 640


def _sc_body(feat_hbm, edge_hbm, z_hbm,
             part_hbm, cnt_hbm,
             src0, src1, src2, src3, dst0, dst1, dst2, dst3,
             rows0, rows1, src_r, dst_r, rows_r, cnt_v, acc_sh,
             gsem0, gsem1, isem0, isem1, isem2, isem3):
    c = lax.axis_index("c")
    s = lax.axis_index("s")
    wid = c * NS + s
    ebase = wid * EPW

    ibufs = ((src0, dst0, isem0), (src1, dst1, isem1),
             (src2, dst2, isem2), (src3, dst3, isem3))
    rbufs = ((rows0, gsem0), (rows1, gsem1))

    def issue_idx(k, ib):
        src_v, dst_v, isem = ib
        b = pl.multiple_of(ebase + k * CHUNK, 8)
        b2 = pl.multiple_of(N_EDGES + ebase + k * CHUNK, 8)
        pltpu.async_copy(edge_hbm.at[pl.ds(b, CHUNK)], src_v, isem)
        pltpu.async_copy(edge_hbm.at[pl.ds(b2, CHUNK)], dst_v, isem)

    def wait_idx(k, ib):
        src_v, dst_v, isem = ib
        b = pl.multiple_of(ebase + k * CHUNK, 8)
        b2 = pl.multiple_of(N_EDGES + ebase + k * CHUNK, 8)
        pltpu.make_async_copy(edge_hbm.at[pl.ds(b, CHUNK)], src_v, isem).wait()
        pltpu.make_async_copy(edge_hbm.at[pl.ds(b2, CHUNK)], dst_v, isem).wait()

    def issue_gather(ib, rb):
        src_v, _, _ = ib
        rows_v, gsem = rb
        pltpu.async_copy(feat_hbm.at[src_v], rows_v, gsem)

    def wait_gather(ib, rb):
        src_v, _, _ = ib
        rows_v, gsem = rb
        pltpu.make_async_copy(feat_hbm.at[src_v], rows_v, gsem).wait()

    for q in range(4):
        issue_idx(q, ibufs[q])

    nb = pl.multiple_of(
        jnp.minimum(s * NPT, N_NODES - NPT).astype(jnp.int32), 8)
    pltpu.sync_copy(z_hbm, acc_sh.at[pl.ds(nb, NPT)])

    zero16 = jnp.zeros((16,), jnp.float32)

    def zstep(i, _):
        cnt_v[pl.ds(i * 16, 16)] = zero16
        return 0

    lax.fori_loop(0, N_NODES // 16, zstep, 0)

    wait_idx(0, ibufs[0])
    issue_gather(ibufs[0], rbufs[0])
    plsc.subcore_barrier()

    ones16 = jnp.ones((16,), jnp.float32)

    def do_chunk(k, ib, nib, rb, nrb):
        _, dst_c, _ = ib
        rows_c, _ = rb
        wait_gather(ib, rb)

        @pl.when(k + 1 < NCHUNK)
        def _():
            wait_idx(k + 1, nib)
            issue_gather(nib, nrb)

        pltpu.sync_copy(rows_c, acc_sh.at[dst_c], add=True)
        for v in range(CHUNK // 16):
            dvec = dst_c[pl.ds(v * 16, 16)]
            plsc.addupdate_scatter(cnt_v, [dvec], ones16)

        @pl.when(k + 4 < NCHUNK)
        def _():
            issue_idx(k + 4, ib)

    def estep(k, _):
        for q in range(4):
            @pl.when(k % 4 == q)
            def _(q=q):
                do_chunk(k, ibufs[q], ibufs[(q + 1) % 4],
                         rbufs[q % 2], rbufs[(q + 1) % 2])

        return 0

    lax.fori_loop(0, NCHUNK, estep, 0)

    rb = pl.multiple_of(ebase + NCHUNK * CHUNK, 8)
    rb2 = pl.multiple_of(N_EDGES + ebase + NCHUNK * CHUNK, 8)
    pltpu.sync_copy(edge_hbm.at[pl.ds(rb, REM)], src_r)
    pltpu.sync_copy(edge_hbm.at[pl.ds(rb2, REM)], dst_r)
    pltpu.async_copy(feat_hbm.at[src_r], rows_r, gsem0).wait()
    pltpu.sync_copy(rows_r, acc_sh.at[dst_r], add=True)
    for v in range(REM // 16):
        plsc.addupdate_scatter(cnt_v, [dst_r[pl.ds(v * 16, 16)]], ones16)

    plsc.subcore_barrier()

    pltpu.sync_copy(acc_sh.at[pl.ds(nb, NPT)], part_hbm.at[c, pl.ds(nb, NPT)])
    cb = pl.multiple_of(wid * N_NODES, 8)
    pltpu.sync_copy(cnt_v, cnt_hbm.at[pl.ds(cb, N_NODES)])


_sc_aggregate = functools.partial(
    pl.kernel,
    out_type=(
        jax.ShapeDtypeStruct((NC, N_NODES, D_FEAT), jnp.float32),
        jax.ShapeDtypeStruct((NW * N_NODES,), jnp.float32),
    ),
    mesh=plsc.VectorSubcoreMesh(core_axis_name="c", subcore_axis_name="s"),
    compiler_params=pltpu.CompilerParams(needs_layout_passes=False),
    scratch_types=[
        pltpu.VMEM((CHUNK,), jnp.int32),
        pltpu.VMEM((CHUNK,), jnp.int32),
        pltpu.VMEM((CHUNK,), jnp.int32),
        pltpu.VMEM((CHUNK,), jnp.int32),
        pltpu.VMEM((CHUNK,), jnp.int32),
        pltpu.VMEM((CHUNK,), jnp.int32),
        pltpu.VMEM((CHUNK,), jnp.int32),
        pltpu.VMEM((CHUNK,), jnp.int32),
        pltpu.VMEM((CHUNK, D_FEAT), jnp.float32),
        pltpu.VMEM((CHUNK, D_FEAT), jnp.float32),
        pltpu.VMEM((REM,), jnp.int32),
        pltpu.VMEM((REM,), jnp.int32),
        pltpu.VMEM((REM, D_FEAT), jnp.float32),
        pltpu.VMEM((N_NODES,), jnp.float32),
        pltpu.VMEM_SHARED((N_NODES, D_FEAT), jnp.float32),
        pltpu.SemaphoreType.DMA,
        pltpu.SemaphoreType.DMA,
        pltpu.SemaphoreType.DMA,
        pltpu.SemaphoreType.DMA,
        pltpu.SemaphoreType.DMA,
        pltpu.SemaphoreType.DMA,
    ],
)(_sc_body)


def _combine_body(p0_ref, p1_ref, cnt_ref, o_ref):
    cnt = jnp.sum(cnt_ref[...], axis=0)
    total = p0_ref[...] + p1_ref[...]
    o_ref[...] = total / jnp.maximum(cnt, 1.0)[:, None]


_combine = pl.pallas_call(
    _combine_body,
    out_shape=jax.ShapeDtypeStruct((N_NODES, D_FEAT), jnp.float32),
)


@jax.jit
def kernel(feature, edge_index):
    edges = edge_index.reshape(2 * N_EDGES)
    z = jnp.zeros((NPT, D_FEAT), jnp.float32)
    partial, cnt = _sc_aggregate(feature, edges, z)
    return _combine(partial[0], partial[1], cnt.reshape(NW, N_NODES))

# --- scband reference (transcript-rebuilt; emitter-appended) ---
"""Pipeline reference for scband-gcn-13718125543731 (READ-ONLY COPY).

The authoritative reference and input builder live on the scoring server;
editing this copy changes nothing except your own understanding.
"""

import jax, jax.numpy as jnp
import numpy as np

N_NODES = 10000
N_EDGES = 320000
D_FEAT = 128


def setup_inputs(seed: int = 0) -> dict:
    key = jax.random.key(seed)
    k1, k2 = jax.random.split(key)
    feature = jax.random.normal(k1, (N_NODES, D_FEAT), dtype=jnp.float32)
    edge_index = jax.random.randint(k2, (2, N_EDGES), 0, N_NODES, dtype=jnp.int32)
    return {"feature": feature, "edge_index": edge_index}


def reference(feature, edge_index):
    # DGL GCN with copy_u message + mean reduce:
    # h[dst] = mean over incoming edges (src -> dst) of feature[src]
    src = edge_index[0]
    dst = edge_index[1]
    n_nodes = feature.shape[0]
    # message: copy source node feature along each edge (gather)
    msg = jnp.take(feature, src, axis=0)
    # reduce: mean over messages grouped by destination node (scatter-add / segment_sum)
    summed = jax.ops.segment_sum(msg, dst, num_segments=n_nodes)
    count = jax.ops.segment_sum(jnp.ones((msg.shape[0],), dtype=feature.dtype), dst, num_segments=n_nodes)
    # zero in-degree nodes get 0 (DGL mean reduce semantics)
    h = summed / jnp.maximum(count, 1.0)[:, None]
    return h

if __name__ == "__main__":
    import jax
    _d = setup_inputs()
    print(jax.jit(kernel)(*tuple(_d.values())))

</pallas_src>

<mosaic_0001>
#map = affine_map<(d0, d1) -> (0, 0)>
#map1 = affine_map<(d0, d1) -> (0)>
#map2 = affine_map<(d0, d1) -> (0, 0, 0)>
module attributes {stable_mosaic.version = 14 : i64} {
  func.func @_sc_body(%arg0: i32, %arg1: i32, %arg2: memref<10000x128xf32, #tpu.memory_space<hbm>>, %arg3: memref<640000xi32, #tpu.memory_space<hbm>>, %arg4: memref<640x128xf32, #tpu.memory_space<hbm>>, %arg5: memref<2x10000x128xf32, #tpu.memory_space<hbm>>, %arg6: memref<320000xf32, #tpu.memory_space<hbm>>, %arg7: memref<128xi32, #tpu.memory_space<vmem>>, %arg8: memref<128xi32, #tpu.memory_space<vmem>>, %arg9: memref<128xi32, #tpu.memory_space<vmem>>, %arg10: memref<128xi32, #tpu.memory_space<vmem>>, %arg11: memref<128xi32, #tpu.memory_space<vmem>>, %arg12: memref<128xi32, #tpu.memory_space<vmem>>, %arg13: memref<128xi32, #tpu.memory_space<vmem>>, %arg14: memref<128xi32, #tpu.memory_space<vmem>>, %arg15: memref<128x128xf32, #tpu.memory_space<vmem>>, %arg16: memref<128x128xf32, #tpu.memory_space<vmem>>, %arg17: memref<16xi32, #tpu.memory_space<vmem>>, %arg18: memref<16xi32, #tpu.memory_space<vmem>>, %arg19: memref<16x128xf32, #tpu.memory_space<vmem>>, %arg20: memref<10000xf32, #tpu.memory_space<vmem>>, %arg21: memref<10000x128xf32, #tpu.memory_space<vmem_shared>>, %arg22: memref<!tpu.dma_semaphore, #tpu.memory_space<semaphore_mem>>, %arg23: memref<!tpu.dma_semaphore, #tpu.memory_space<semaphore_mem>>, %arg24: memref<!tpu.dma_semaphore, #tpu.memory_space<semaphore_mem>>, %arg25: memref<!tpu.dma_semaphore, #tpu.memory_space<semaphore_mem>>, %arg26: memref<!tpu.dma_semaphore, #tpu.memory_space<semaphore_mem>>, %arg27: memref<!tpu.dma_semaphore, #tpu.memory_space<semaphore_mem>>) attributes {dimension_semantics = [#tpu.dimension_semantics<core_parallel>, #tpu.dimension_semantics<subcore_parallel>], iteration_bounds = array<i64: 2, 16>, scalar_prefetch = 0 : i64, scratch_operands = 21 : i64, tpu.core_type = #tpu.core_type<sc_vector_subcore>, window_params = [{transform_indices = #map}, {transform_indices = #map1}, {transform_indices = #map}, {transform_indices = #map2}, {transform_indices = #map1}]} {
    %mul3A = arith.constant 16 : i32
    %mul3A_0 = arith.muli %arg0, %mul3A : i32
    %add3A = arith.addi %mul3A_0, %arg1 : i32
    %mul3A_1 = arith.constant 10000 : i32
    %mul3A_2 = arith.muli %add3A, %mul3A_1 : i32
    %add3A_3 = arith.constant 0 : i32
    %add3A_4 = arith.addi %mul3A_2, %add3A_3 : i32
    %multiple_of3A = tpu.assume_multiple %add3A_4, 8 : i32
    %add3A_5 = arith.constant 320000 : i32
    %add3A_6 = arith.addi %add3A_5, %mul3A_2 : i32
    %add3A_7 = arith.constant 0 : i32
    %add3A_8 = arith.addi %add3A_6, %add3A_7 : i32
    %multiple_of3A_9 = tpu.assume_multiple %add3A_8, 8 : i32
    %dma_start3A = tpu.memref_slice %arg3[%multiple_of3A] : memref<640000xi32, #tpu.memory_space<hbm>> -> memref<128xi32, #tpu.memory_space<hbm>>
    %dma_start3A_10 = tpu.memref_slice %arg3[%multiple_of3A] : memref<640000xi32, #tpu.memory_space<hbm>> -> memref<128xi32, #tpu.memory_space<hbm>>
    tpu.enqueue_dma source(%dma_start3A_10 : memref<128xi32, #tpu.memory_space<hbm>>) target(%arg7 : memref<128xi32, #tpu.memory_space<vmem>>) target_semaphore(%arg24 : memref<!tpu.dma_semaphore, #tpu.memory_space<semaphore_mem>>)
    %dma_start3A_11 = tpu.memref_slice %arg3[%multiple_of3A_9] : memref<640000xi32, #tpu.memory_space<hbm>> -> memref<128xi32, #tpu.memory_space<hbm>>
    %dma_start3A_12 = tpu.memref_slice %arg3[%multiple_of3A_9] : memref<640000xi32, #tpu.memory_space<hbm>> -> memref<128xi32, #tpu.memory_space<hbm>>
    tpu.enqueue_dma source(%dma_start3A_12 : memref<128xi32, #tpu.memory_space<hbm>>) target(%arg11 : memref<128xi32, #tpu.memory_space<vmem>>) target_semaphore(%arg24 : memref<!tpu.dma_semaphore, #tpu.memory_space<semaphore_mem>>)
    %add3A_13 = arith.constant 128 : i32
    %add3A_14 = arith.addi %mul3A_2, %add3A_13 : i32
    %multiple_of3A_15 = tpu.assume_multiple %add3A_14, 8 : i32
    %add3A_16 = arith.constant 320000 : i32
    %add3A_17 = arith.addi %add3A_16, %mul3A_2 : i32
    %add3A_18 = arith.constant 128 : i32
    %add3A_19 = arith.addi %add3A_17, %add3A_18 : i32
    %multiple_of3A_20 = tpu.assume_multiple %add3A_19, 8 : i32
    %dma_start3A_21 = tpu.memref_slice %arg3[%multiple_of3A_15] : memref<640000xi32, #tpu.memory_space<hbm>> -> memref<128xi32, #tpu.memory_space<hbm>>
    %dma_start3A_22 = tpu.memref_slice %arg3[%multiple_of3A_15] : memref<640000xi32, #tpu.memory_space<hbm>> -> memref<128xi32, #tpu.memory_space<hbm>>
    tpu.enqueue_dma source(%dma_start3A_22 : memref<128xi32, #tpu.memory_space<hbm>>) target(%arg8 : memref<128xi32, #tpu.memory_space<vmem>>) target_semaphore(%arg25 : memref<!tpu.dma_semaphore, #tpu.memory_space<semaphore_mem>>)
    %dma_start3A_23 = tpu.memref_slice %arg3[%multiple_of3A_20] : memref<640000xi32, #tpu.memory_space<hbm>> -> memref<128xi32, #tpu.memory_space<hbm>>
    %dma_start3A_24 = tpu.memref_slice %arg3[%multiple_of3A_20] : memref<640000xi32, #tpu.memory_space<hbm>> -> memref<128xi32, #tpu.memory_space<hbm>>
    tpu.enqueue_dma source(%dma_start3A_24 : memref<128xi32, #tpu.memory_space<hbm>>) target(%arg12 : memref<128xi32, #tpu.memory_space<vmem>>) target_semaphore(%arg25 : memref<!tpu.dma_semaphore, #tpu.memory_space<semaphore_mem>>)
    %add3A_25 = arith.constant 256 : i32
    %add3A_26 = arith.addi %mul3A_2, %add3A_25 : i32
    %multiple_of3A_27 = tpu.assume_multiple %add3A_26, 8 : i32
    %add3A_28 = arith.constant 320000 : i32
    %add3A_29 = arith.addi %add3A_28, %mul3A_2 : i32
    %add3A_30 = arith.constant 256 : i32
    %add3A_31 = arith.addi %add3A_29, %add3A_30 : i32
    %multiple_of3A_32 = tpu.assume_multiple %add3A_31, 8 : i32
    %dma_start3A_33 = tpu.memref_slice %arg3[%multiple_of3A_27] : memref<640000xi32, #tpu.memory_space<hbm>> -> memref<128xi32, #tpu.memory_space<hbm>>
    %dma_start3A_34 = tpu.memref_slice %arg3[%multiple_of3A_27] : memref<640000xi32, #tpu.memory_space<hbm>> -> memref<128xi32, #tpu.memory_space<hbm>>
    tpu.enqueue_dma source(%dma_start3A_34 : memref<128xi32, #tpu.memory_space<hbm>>) target(%arg9 : memref<128xi32, #tpu.memory_space<vmem>>) target_semaphore(%arg26 : memref<!tpu.dma_semaphore, #tpu.memory_space<semaphore_mem>>)
    %dma_start3A_35 = tpu.memref_slice %arg3[%multiple_of3A_32] : memref<640000xi32, #tpu.memory_space<hbm>> -> memref<128xi32, #tpu.memory_space<hbm>>
    %dma_start3A_36 = tpu.memref_slice %arg3[%multiple_of3A_32] : memref<640000xi32, #tpu.memory_space<hbm>> -> memref<128xi32, #tpu.memory_space<hbm>>
    tpu.enqueue_dma source(%dma_start3A_36 : memref<128xi32, #tpu.memory_space<hbm>>) target(%arg13 : memref<128xi32, #tpu.memory_space<vmem>>) target_semaphore(%arg26 : memref<!tpu.dma_semaphore, #tpu.memory_space<semaphore_mem>>)
    %add3A_37 = arith.constant 384 : i32
    %add3A_38 = arith.addi %mul3A_2, %add3A_37 : i32
    %multiple_of3A_39 = tpu.assume_multiple %add3A_38, 8 : i32
    %add3A_40 = arith.constant 320000 : i32
    %add3A_41 = arith.addi %add3A_40, %mul3A_2 : i32
    %add3A_42 = arith.constant 384 : i32
    %add3A_43 = arith.addi %add3A_41, %add3A_42 : i32
    %multiple_of3A_44 = tpu.assume_multiple %add3A_43, 8 : i32
    %dma_start3A_45 = tpu.memref_slice %arg3[%multiple_of3A_39] : memref<640000xi32, #tpu.memory_space<hbm>> -> memref<128xi32, #tpu.memory_space<hbm>>
    %dma_start3A_46 = tpu.memref_slice %arg3[%multiple_of3A_39] : memref<640000xi32, #tpu.memory_space<hbm>> -> memref<128xi32, #tpu.memory_space<hbm>>
    tpu.enqueue_dma source(%dma_start3A_46 : memref<128xi32, #tpu.memory_space<hbm>>) target(%arg10 : memref<128xi32, #tpu.memory_space<vmem>>) target_semaphore(%arg27 : memref<!tpu.dma_semaphore, #tpu.memory_space<semaphore_mem>>)
    %dma_start3A_47 = tpu.memref_slice %arg3[%multiple_of3A_44] : memref<640000xi32, #tpu.memory_space<hbm>> -> memref<128xi32, #tpu.memory_space<hbm>>
    %dma_start3A_48 = tpu.memref_slice %arg3[%multiple_of3A_44] : memref<640000xi32, #tpu.memory_space<hbm>> -> memref<128xi32, #tpu.memory_space<hbm>>
    tpu.enqueue_dma source(%dma_start3A_48 : memref<128xi32, #tpu.memory_space<hbm>>) target(%arg14 : memref<128xi32, #tpu.memory_space<vmem>>) target_semaphore(%arg27 : memref<!tpu.dma_semaphore, #tpu.memory_space<semaphore_mem>>)
    %mul3A_49 = arith.constant 640 : i32
    %mul3A_50 = arith.muli %arg1, %mul3A_49 : i32
    %min3A = arith.constant 9360 : i32
    %min3A_51 = arith.minsi %mul3A_50, %min3A : i32
    %multiple_of3A_52 = tpu.assume_multiple %min3A_51, 8 : i32
    "tpu.region"() ({
      %run_scoped3A = tpu.sem_alloc : memref<!tpu.dma_semaphore, #tpu.memory_space<semaphore_mem>>
      %dma_start3A_102 = arith.constant 0 : i32
      %dma_start3A_103 = tpu.memref_slice %arg21[%multiple_of3A_52, %dma_start3A_102] : memref<10000x128xf32, #tpu.memory_space<vmem_shared>> -> memref<640x128xf32, #tpu.memory_space<vmem_shared>>
      tpu.enqueue_dma source(%arg4 : memref<640x128xf32, #tpu.memory_space<hbm>>) target(%dma_start3A_103 : memref<640x128xf32, #tpu.memory_space<vmem_shared>>) target_semaphore(%run_scoped3A : memref<!tpu.dma_semaphore, #tpu.memory_space<semaphore_mem>>)
      %dma_wait3A_104 = arith.constant 0 : i32
      %dma_wait3A_105 = tpu.memref_slice %arg21[%multiple_of3A_52, %dma_wait3A_104] : memref<10000x128xf32, #tpu.memory_space<vmem_shared>> -> memref<640x128xf32, #tpu.memory_space<vmem_shared>>
      tpu.wait_dma2 semaphore(%run_scoped3A : memref<!tpu.dma_semaphore, #tpu.memory_space<semaphore_mem>>) src(%arg4 : memref<640x128xf32, #tpu.memory_space<hbm>>) dst(%dma_wait3A_105 : memref<640x128xf32, #tpu.memory_space<vmem_shared>>)
      tpu.yield
    }) : () -> ()
    %broadcast_in_dim3A = arith.constant 0.000000e+00 : f32
    %broadcast_in_dim3A_53 = vector.broadcast %broadcast_in_dim3A : f32 to vector<16xf32>
    %scan3A = arith.constant 0 : i32
    %scan3A_54 = arith.constant 0 : i32
    %scan3A_55 = arith.constant 625 : i32
    %scan3A_56 = arith.addi %scan3A_54, %scan3A_55 : i32
    %scan3A_57 = arith.constant 1 : i32
    %scan3A_58 = scf.for %scan3A_102 = %scan3A_54 to %scan3A_56 step %scan3A_57 iter_args(%scan3A_103 = %scan3A) -> (i32)  : i32 {
      %mul3A_104 = arith.constant 16 : i32
      %mul3A_105 = arith.muli %scan3A_102, %mul3A_104 : i32
      %swap3A = arith.index_cast %mul3A_105 : i32 to index
      %swap3A_106 = tpu.vector_load %arg20[%swap3A] {strides = array<i32>} : memref<10000xf32, #tpu.memory_space<vmem>>, vector<16xf32>,
      tpu.vector_store %arg20[%swap3A], %broadcast_in_dim3A_53 {strides = array<i32>} : memref<10000xf32, #tpu.memory_space<vmem>>, vector<16xf32>,
      %scan3A_107 = arith.constant 0 : i32
      scf.yield %scan3A_107 : i32
    }
    %scan3A_59 = arith.constant 625 : i32
    %add3A_60 = arith.constant 0 : i32
    %add3A_61 = arith.addi %mul3A_2, %add3A_60 : i32
    %multiple_of3A_62 = tpu.assume_multiple %add3A_61, 8 : i32
    %add3A_63 = arith.constant 320000 : i32
    %add3A_64 = arith.addi %add3A_63, %mul3A_2 : i32
    %add3A_65 = arith.constant 0 : i32
    %add3A_66 = arith.addi %add3A_64, %add3A_65 : i32
    %multiple_of3A_67 = tpu.assume_multiple %add3A_66, 8 : i32
    %dma_wait3A = tpu.memref_slice %arg3[%multiple_of3A_62] : memref<640000xi32, #tpu.memory_space<hbm>> -> memref<128xi32, #tpu.memory_space<hbm>>
    %dma_wait3A_68 = tpu.memref_slice %arg3[%multiple_of3A_62] : memref<640000xi32, #tpu.memory_space<hbm>> -> memref<128xi32, #tpu.memory_space<hbm>>
    tpu.wait_dma2 semaphore(%arg24 : memref<!tpu.dma_semaphore, #tpu.memory_space<semaphore_mem>>) src(%dma_wait3A_68 : memref<128xi32, #tpu.memory_space<hbm>>) dst(%arg7 : memref<128xi32, #tpu.memory_space<vmem>>)
    %dma_wait3A_69 = tpu.memref_slice %arg3[%multiple_of3A_67] : memref<640000xi32, #tpu.memory_space<hbm>> -> memref<128xi32, #tpu.memory_space<hbm>>
    %dma_wait3A_70 = tpu.memref_slice %arg3[%multiple_of3A_67] : memref<640000xi32, #tpu.memory_space<hbm>> -> memref<128xi32, #tpu.memory_space<hbm>>
    tpu.wait_dma2 semaphore(%arg24 : memref<!tpu.dma_semaphore, #tpu.memory_space<semaphore_mem>>) src(%dma_wait3A_70 : memref<128xi32, #tpu.memory_space<hbm>>) dst(%arg11 : memref<128xi32, #tpu.memory_space<vmem>>)
    %dma_start3A_71 = arith.constant 0 : i32
    %dma_start3A_72 = arith.constant 0 : i32
    %dma_start3A_73 = tpu.memref_slice %arg2[%dma_start3A_71, %dma_start3A_72] : memref<10000x128xf32, #tpu.memory_space<hbm>> -> memref<10000x128xf32, #tpu.memory_space<hbm>>
    tpu.enqueue_indirect_dma source(%dma_start3A_73 : memref<10000x128xf32, #tpu.memory_space<hbm>>) target(%arg15 : memref<128x128xf32, #tpu.memory_space<vmem>>) offsets(%arg7 : memref<128xi32, #tpu.memory_space<vmem>>) semaphore(%arg22 : memref<!tpu.dma_semaphore, #tpu.memory_space<semaphore_mem>>)
    %barrier3A = arith.constant 0 : index
    tpu.barrier barrier_id(%barrier3A)
    %broadcast_in_dim3A_74 = arith.constant 1.000000e+00 : f32
    %broadcast_in_dim3A_75 = vector.broadcast %broadcast_in_dim3A_74 : f32 to vector<16xf32>
    %scan3A_76 = arith.constant 0 : i32
    %scan3A_77 = arith.constant 0 : i32
    %scan3A_78 = arith.constant 78 : i32
    %scan3A_79 = arith.addi %scan3A_77, %scan3A_78 : i32
    %scan3A_80 = arith.constant 1 : i32
    %scan3A_81 = scf.for %scan3A_102 = %scan3A_77 to %scan3A_79 step %scan3A_80 iter_args(%scan3A_103 = %scan3A_76) -> (i32)  : i32 {
      %jit3A = arith.constant 4 : i32
      %eq3A = arith.constant 0 : i32
      %eq3A_104 = arith.cmpi eq, %jit3A, %eq3A : i32
      %jit3A_105 = arith.constant 1 : i32
      %select_n3A = arith.select %eq3A_104, %jit3A_105, %jit3A : i32
      %rem3A = arith.remsi %scan3A_102, %select_n3A : i32
      %ne3A = arith.constant 0 : i32
      %ne3A_106 = arith.cmpi ne, %rem3A, %ne3A : i32
      %lt3A = arith.constant 0 : i32
      %lt3A_107 = arith.cmpi slt, %rem3A, %lt3A : i32
      %lt3A_108 = arith.constant 0 : i32
      %lt3A_109 = arith.cmpi slt, %select_n3A, %lt3A_108 : i32
      %ne3A_110 = arith.xori %lt3A_107, %lt3A_109 : i1
      %and3A = arith.andi %ne3A_110, %ne3A_106 : i1
      %add3A_111 = arith.addi %rem3A, %select_n3A : i32
      %select_n3A_112 = arith.select %and3A, %add3A_111, %rem3A : i32
      %eq3A_113 = arith.constant 0 : i32
      %eq3A_114 = arith.cmpi eq, %select_n3A_112, %eq3A_113 : i32
      %convert_element_type3A = arith.extui %eq3A_114 : i1 to i32
      %cond3A = arith.constant 0 : i32
      %cond3A_115 = arith.cmpi ne, %convert_element_type3A, %cond3A : i32
      scf.if %cond3A_115 {
        %dma_wait3A_180 = arith.constant 0 : i32
        %dma_wait3A_181 = arith.constant 0 : i32
        %dma_wait3A_182 = tpu.memref_slice %arg2[%dma_wait3A_180, %dma_wait3A_181] : memref<10000x128xf32, #tpu.memory_space<hbm>> -> memref<10000x128xf32, #tpu.memory_space<hbm>>
        tpu.wait_indirect_dma semaphore(%arg22 : memref<!tpu.dma_semaphore, #tpu.memory_space<semaphore_mem>>) src(%dma_wait3A_182 : memref<10000x128xf32, #tpu.memory_space<hbm>>) dst(%arg15 : memref<128x128xf32, #tpu.memory_space<vmem>>)
        %add3A_183 = arith.constant 1 : i32
        %add3A_184 = arith.addi %scan3A_102, %add3A_183 : i32
        %lt3A_185 = arith.constant 78 : i32
        %lt3A_186 = arith.cmpi slt, %add3A_184, %lt3A_185 : i32
        %convert_element_type3A_187 = arith.extui %lt3A_186 : i1 to i32
        %cond3A_188 = arith.constant 0 : i32
        %cond3A_189 = arith.cmpi ne, %convert_element_type3A_187, %cond3A_188 : i32
        scf.if %cond3A_189 {
          %add3A_213 = arith.constant 1 : i32
          %add3A_214 = arith.addi %scan3A_102, %add3A_213 : i32
          %mul3A_215 = arith.constant 128 : i32
          %mul3A_216 = arith.muli %add3A_214, %mul3A_215 : i32
          %add3A_217 = arith.addi %mul3A_2, %mul3A_216 : i32
          %multiple_of3A_218 = tpu.assume_multiple %add3A_217, 8 : i32
          %add3A_219 = arith.constant 320000 : i32
          %add3A_220 = arith.addi %add3A_219, %mul3A_2 : i32
          %mul3A_221 = arith.constant 128 : i32
          %mul3A_222 = arith.muli %add3A_214, %mul3A_221 : i32
          %add3A_223 = arith.addi %add3A_220, %mul3A_222 : i32
          %multiple_of3A_224 = tpu.assume_multiple %add3A_223, 8 : i32
          %dma_wait3A_225 = tpu.memref_slice %arg3[%multiple_of3A_218] : memref<640000xi32, #tpu.memory_space<hbm>> -> memref<128xi32, #tpu.memory_space<hbm>>
          %dma_wait3A_226 = tpu.memref_slice %arg3[%multiple_of3A_218] : memref<640000xi32, #tpu.memory_space<hbm>> -> memref<128xi32, #tpu.memory_space<hbm>>
          tpu.wait_dma2 semaphore(%arg25 : memref<!tpu.dma_semaphore, #tpu.memory_space<semaphore_mem>>) src(%dma_wait3A_226 : memref<128xi32, #tpu.memory_space<hbm>>) dst(%arg8 : memref<128xi32, #tpu.memory_space<vmem>>)
          %dma_wait3A_227 = tpu.memref_slice %arg3[%multiple_of3A_224] : memref<640000xi32, #tpu.memory_space<hbm>> -> memref<128xi32, #tpu.memory_space<hbm>>
          %dma_wait3A_228 = tpu.memref_slice %arg3[%multiple_of3A_224] : memref<640000xi32, #tpu.memory_space<hbm>> -> memref<128xi32, #tpu.memory_space<hbm>>
          tpu.wait_dma2 semaphore(%arg25 : memref<!tpu.dma_semaphore, #tpu.memory_space<semaphore_mem>>) src(%dma_wait3A_228 : memref<128xi32, #tpu.memory_space<hbm>>) dst(%arg12 : memref<128xi32, #tpu.memory_space<vmem>>)
          %dma_start3A_229 = arith.constant 0 : i32
          %dma_start3A_230 = arith.constant 0 : i32
          %dma_start3A_231 = tpu.memref_slice %arg2[%dma_start3A_229, %dma_start3A_230] : memref<10000x128xf32, #tpu.memory_space<hbm>> -> memref<10000x128xf32, #tpu.memory_space<hbm>>
          tpu.enqueue_indirect_dma source(%dma_start3A_231 : memref<10000x128xf32, #tpu.memory_space<hbm>>) target(%arg16 : memref<128x128xf32, #tpu.memory_space<vmem>>) offsets(%arg8 : memref<128xi32, #tpu.memory_space<vmem>>) semaphore(%arg23 : memref<!tpu.dma_semaphore, #tpu.memory_space<semaphore_mem>>)
        } else {
        }
        "tpu.region"() ({
          %run_scoped3A = tpu.sem_alloc : memref<!tpu.dma_semaphore, #tpu.memory_space<semaphore_mem>>
          %dma_start3A_213 = arith.constant 0 : i32
          %dma_start3A_214 = arith.constant 0 : i32
          %dma_start3A_215 = tpu.memref_slice %arg21[%dma_start3A_213, %dma_start3A_214] : memref<10000x128xf32, #tpu.memory_space<vmem_shared>> -> memref<10000x128xf32, #tpu.memory_space<vmem_shared>>
          tpu.enqueue_indirect_dma source(%arg15 : memref<128x128xf32, #tpu.memory_space<vmem>>) target(%dma_start3A_215 : memref<10000x128xf32, #tpu.memory_space<vmem_shared>>) offsets(%arg11 : memref<128xi32, #tpu.memory_space<vmem>>) semaphore(%run_scoped3A : memref<!tpu.dma_semaphore, #tpu.memory_space<semaphore_mem>>) {add = true}
          %dma_wait3A_216 = arith.constant 0 : i32
          %dma_wait3A_217 = arith.constant 0 : i32
          %dma_wait3A_218 = tpu.memref_slice %arg21[%dma_wait3A_216, %dma_wait3A_217] : memref<10000x128xf32, #tpu.memory_space<vmem_shared>> -> memref<10000x128xf32, #tpu.memory_space<vmem_shared>>
          tpu.wait_indirect_dma semaphore(%run_scoped3A : memref<!tpu.dma_semaphore, #tpu.memory_space<semaphore_mem>>) src(%arg15 : memref<128x128xf32, #tpu.memory_space<vmem>>) dst(%dma_wait3A_218 : memref<10000x128xf32, #tpu.memory_space<vmem_shared>>)
          tpu.yield
        }) : () -> ()
        %get3A_190 = arith.constant 0 : index
        %get3A_191 = tpu.vector_load %arg11[%get3A_190] {strides = array<i32>} : memref<128xi32, #tpu.memory_space<vmem>>, vector<16xi32>,
        tpu.vector_store_idx %arg20[%get3A_191], %broadcast_in_dim3A_75 {add = true} : memref<10000xf32, #tpu.memory_space<vmem>>[vector<16xi32>], vector<16xf32>,
        %get3A_192 = arith.constant 16 : index
        %get3A_193 = tpu.vector_load %arg11[%get3A_192] {strides = array<i32>} : memref<128xi32, #tpu.memory_space<vmem>>, vector<16xi32>,
        tpu.vector_store_idx %arg20[%get3A_193], %broadcast_in_dim3A_75 {add = true} : memref<10000xf32, #tpu.memory_space<vmem>>[vector<16xi32>], vector<16xf32>,
        %get3A_194 = arith.constant 32 : index
        %get3A_195 = tpu.vector_load %arg11[%get3A_194] {strides = array<i32>} : memref<128xi32, #tpu.memory_space<vmem>>, vector<16xi32>,
        tpu.vector_store_idx %arg20[%get3A_195], %broadcast_in_dim3A_75 {add = true} : memref<10000xf32, #tpu.memory_space<vmem>>[vector<16xi32>], vector<16xf32>,
        %get3A_196 = arith.constant 48 : index
        %get3A_197 = tpu.vector_load %arg11[%get3A_196] {strides = array<i32>} : memref<128xi32, #tpu.memory_space<vmem>>, vector<16xi32>,
        tpu.vector_store_idx %arg20[%get3A_197], %broadcast_in_dim3A_75 {add = true} : memref<10000xf32, #tpu.memory_space<vmem>>[vector<16xi32>], vector<16xf32>,
        %get3A_198 = arith.constant 64 : index
        %get3A_199 = tpu.vector_load %arg11[%get3A_198] {strides = array<i32>} : memref<128xi32, #tpu.memory_space<vmem>>, vector<16xi32>,
        tpu.vector_store_idx %arg20[%get3A_199], %broadcast_in_dim3A_75 {add = true} : memref<10000xf32, #tpu.memory_space<vmem>>[vector<16xi32>], vector<16xf32>,
        %get3A_200 = arith.constant 80 : index
        %get3A_201 = tpu.vector_load %arg11[%get3A_200] {strides = array<i32>} : memref<128xi32, #tpu.memory_space<vmem>>, vector<16xi32>,
        tpu.vector_store_idx %arg20[%get3A_201], %broadcast_in_dim3A_75 {add = true} : memref<10000xf32, #tpu.memory_space<vmem>>[vector<16xi32>], vector<16xf32>,
        %get3A_202 = arith.constant 96 : index
        %get3A_203 = tpu.vector_load %arg11[%get3A_202] {strides = array<i32>} : memref<128xi32, #tpu.memory_space<vmem>>, vector<16xi32>,
        tpu.vector_store_idx %arg20[%get3A_203], %broadcast_in_dim3A_75 {add = true} : memref<10000xf32, #tpu.memory_space<vmem>>[vector<16xi32>], vector<16xf32>,
        %get3A_204 = arith.constant 112 : index
        %get3A_205 = tpu.vector_load %arg11[%get3A_204] {strides = array<i32>} : memref<128xi32, #tpu.memory_space<vmem>>, vector<16xi32>,
        tpu.vector_store_idx %arg20[%get3A_205], %broadcast_in_dim3A_75 {add = true} : memref<10000xf32, #tpu.memory_space<vmem>>[vector<16xi32>], vector<16xf32>,
        %add3A_206 = arith.constant 4 : i32
        %add3A_207 = arith.addi %scan3A_102, %add3A_206 : i32
        %lt3A_208 = arith.constant 78 : i32
        %lt3A_209 = arith.cmpi slt, %add3A_207, %lt3A_208 : i32
        %convert_element_type3A_210 = arith.extui %lt3A_209 : i1 to i32
        %cond3A_211 = arith.constant 0 : i32
        %cond3A_212 = arith.cmpi ne, %convert_element_type3A_210, %cond3A_211 : i32
        scf.if %cond3A_212 {
          %add3A_213 = arith.constant 4 : i32
          %add3A_214 = arith.addi %scan3A_102, %add3A_213 : i32
          %mul3A_215 = arith.constant 128 : i32
          %mul3A_216 = arith.muli %add3A_214, %mul3A_215 : i32
          %add3A_217 = arith.addi %mul3A_2, %mul3A_216 : i32
          %multiple_of3A_218 = tpu.assume_multiple %add3A_217, 8 : i32
          %add3A_219 = arith.constant 320000 : i32
          %add3A_220 = arith.addi %add3A_219, %mul3A_2 : i32
          %mul3A_221 = arith.constant 128 : i32
          %mul3A_222 = arith.muli %add3A_214, %mul3A_221 : i32
          %add3A_223 = arith.addi %add3A_220, %mul3A_222 : i32
          %multiple_of3A_224 = tpu.assume_multiple %add3A_223, 8 : i32
          %dma_start3A_225 = tpu.memref_slice %arg3[%multiple_of3A_218] : memref<640000xi32, #tpu.memory_space<hbm>> -> memref<128xi32, #tpu.memory_space<hbm>>
          %dma_start3A_226 = tpu.memref_slice %arg3[%multiple_of3A_218] : memref<640000xi32, #tpu.memory_space<hbm>> -> memref<128xi32, #tpu.memory_space<hbm>>
          tpu.enqueue_dma source(%dma_start3A_226 : memref<128xi32, #tpu.memory_space<hbm>>) target(%arg7 : memref<128xi32, #tpu.memory_space<vmem>>) target_semaphore(%arg24 : memref<!tpu.dma_semaphore, #tpu.memory_space<semaphore_mem>>)
          %dma_start3A_227 = tpu.memref_slice %arg3[%multiple_of3A_224] : memref<640000xi32, #tpu.memory_space<hbm>> -> memref<128xi32, #tpu.memory_space<hbm>>
          %dma_start3A_228 = tpu.memref_slice %arg3[%multiple_of3A_224] : memref<640000xi32, #tpu.memory_space<hbm>> -> memref<128xi32, #tpu.memory_space<hbm>>
          tpu.enqueue_dma source(%dma_start3A_228 : memref<128xi32, #tpu.memory_space<hbm>>) target(%arg11 : memref<128xi32, #tpu.memory_space<vmem>>) target_semaphore(%arg24 : memref<!tpu.dma_semaphore, #tpu.memory_space<semaphore_mem>>)
        } else {
        }
      } else {
      }
      %jit3A_116 = arith.constant 4 : i32
      %eq3A_117 = arith.constant 0 : i32
      %eq3A_118 = arith.cmpi eq, %jit3A_116, %eq3A_117 : i32
      %jit3A_119 = arith.constant 1 : i32
      %select_n3A_120 = arith.select %eq3A_118, %jit3A_119, %jit3A_116 : i32
      %rem3A_121 = arith.remsi %scan3A_102, %select_n3A_120 : i32
      %ne3A_122 = arith.constant 0 : i32
      %ne3A_123 = arith.cmpi ne, %rem3A_121, %ne3A_122 : i32
      %lt3A_124 = arith.constant 0 : i32
      %lt3A_125 = arith.cmpi slt, %rem3A_121, %lt3A_124 : i32
      %lt3A_126 = arith.constant 0 : i32
      %lt3A_127 = arith.cmpi slt, %select_n3A_120, %lt3A_126 : i32
      %ne3A_128 = arith.xori %lt3A_125, %lt3A_127 : i1
      %and3A_129 = arith.andi %ne3A_128, %ne3A_123 : i1
      %add3A_130 = arith.addi %rem3A_121, %select_n3A_120 : i32
      %select_n3A_131 = arith.select %and3A_129, %add3A_130, %rem3A_121 : i32
      %eq3A_132 = arith.constant 1 : i32
      %eq3A_133 = arith.cmpi eq, %select_n3A_131, %eq3A_132 : i32
      %convert_element_type3A_134 = arith.extui %eq3A_133 : i1 to i32
      %cond3A_135 = arith.constant 0 : i32
      %cond3A_136 = arith.cmpi ne, %convert_element_type3A_134, %cond3A_135 : i32
      scf.if %cond3A_136 {
        %dma_wait3A_180 = arith.constant 0 : i32
        %dma_wait3A_181 = arith.constant 0 : i32
        %dma_wait3A_182 = tpu.memref_slice %arg2[%dma_wait3A_180, %dma_wait3A_181] : memref<10000x128xf32, #tpu.memory_space<hbm>> -> memref<10000x128xf32, #tpu.memory_space<hbm>>
        tpu.wait_indirect_dma semaphore(%arg23 : memref<!tpu.dma_semaphore, #tpu.memory_space<semaphore_mem>>) src(%dma_wait3A_182 : memref<10000x128xf32, #tpu.memory_space<hbm>>) dst(%arg16 : memref<128x128xf32, #tpu.memory_space<vmem>>)
        %add3A_183 = arith.constant 1 : i32
        %add3A_184 = arith.addi %scan3A_102, %add3A_183 : i32
        %lt3A_185 = arith.constant 78 : i32
        %lt3A_186 = arith.cmpi slt, %add3A_184, %lt3A_185 : i32
        %convert_element_type3A_187 = arith.extui %lt3A_186 : i1 to i32
        %cond3A_188 = arith.constant 0 : i32
        %cond3A_189 = arith.cmpi ne, %convert_element_type3A_187, %cond3A_188 : i32
        scf.if %cond3A_189 {
          %add3A_213 = arith.constant 1 : i32
          %add3A_214 = arith.addi %scan3A_102, %add3A_213 : i32
          %mul3A_215 = arith.constant 128 : i32
          %mul3A_216 = arith.muli %add3A_214, %mul3A_215 : i32
          %add3A_217 = arith.addi %mul3A_2, %mul3A_216 : i32
          %multiple_of3A_218 = tpu.assume_multiple %add3A_217, 8 : i32
          %add3A_219 = arith.constant 320000 : i32
          %add3A_220 = arith.addi %add3A_219, %mul3A_2 : i32
          %mul3A_221 = arith.constant 128 : i32
          %mul3A_222 = arith.muli %add3A_214, %mul3A_221 : i32
          %add3A_223 = arith.addi %add3A_220, %mul3A_222 : i32
          %multiple_of3A_224 = tpu.assume_multiple %add3A_223, 8 : i32
          %dma_wait3A_225 = tpu.memref_slice %arg3[%multiple_of3A_218] : memref<640000xi32, #tpu.memory_space<hbm>> -> memref<128xi32, #tpu.memory_space<hbm>>
          %dma_wait3A_226 = tpu.memref_slice %arg3[%multiple_of3A_218] : memref<640000xi32, #tpu.memory_space<hbm>> -> memref<128xi32, #tpu.memory_space<hbm>>
          tpu.wait_dma2 semaphore(%arg26 : memref<!tpu.dma_semaphore, #tpu.memory_space<semaphore_mem>>) src(%dma_wait3A_226 : memref<128xi32, #tpu.memory_space<hbm>>) dst(%arg9 : memref<128xi32, #tpu.memory_space<vmem>>)
          %dma_wait3A_227 = tpu.memref_slice %arg3[%multiple_of3A_224] : memref<640000xi32, #tpu.memory_space<hbm>> -> memref<128xi32, #tpu.memory_space<hbm>>
          %dma_wait3A_228 = tpu.memref_slice %arg3[%multiple_of3A_224] : memref<640000xi32, #tpu.memory_space<hbm>> -> memref<128xi32, #tpu.memory_space<hbm>>
          tpu.wait_dma2 semaphore(%arg26 : memref<!tpu.dma_semaphore, #tpu.memory_space<semaphore_mem>>) src(%dma_wait3A_228 : memref<128xi32, #tpu.memory_space<hbm>>) dst(%arg13 : memref<128xi32, #tpu.memory_space<vmem>>)
          %dma_start3A_229 = arith.constant 0 : i32
          %dma_start3A_230 = arith.constant 0 : i32
          %dma_start3A_231 = tpu.memref_slice %arg2[%dma_start3A_229, %dma_start3A_230] : memref<10000x128xf32, #tpu.memory_space<hbm>> -> memref<10000x128xf32, #tpu.memory_space<hbm>>
          tpu.enqueue_indirect_dma source(%dma_start3A_231 : memref<10000x128xf32, #tpu.memory_space<hbm>>) target(%arg15 : memref<128x128xf32, #tpu.memory_space<vmem>>) offsets(%arg9 : memref<128xi32, #tpu.memory_space<vmem>>) semaphore(%arg22 : memref<!tpu.dma_semaphore, #tpu.memory_space<semaphore_mem>>)
        } else {
        }
        "tpu.region"() ({
          %run_scoped3A = tpu.sem_alloc : memref<!tpu.dma_semaphore, #tpu.memory_space<semaphore_mem>>
          %dma_start3A_213 = arith.constant 0 : i32
          %dma_start3A_214 = arith.constant 0 : i32
          %dma_start3A_215 = tpu.memref_slice %arg21[%dma_start3A_213, %dma_start3A_214] : memref<10000x128xf32, #tpu.memory_space<vmem_shared>> -> memref<10000x128xf32, #tpu.memory_space<vmem_shared>>
          tpu.enqueue_indirect_dma source(%arg16 : memref<128x128xf32, #tpu.memory_space<vmem>>) target(%dma_start3A_215 : memref<10000x128xf32, #tpu.memory_space<vmem_shared>>) offsets(%arg12 : memref<128xi32, #tpu.memory_space<vmem>>) semaphore(%run_scoped3A : memref<!tpu.dma_semaphore, #tpu.memory_space<semaphore_mem>>) {add = true}
          %dma_wait3A_216 = arith.constant 0 : i32
          %dma_wait3A_217 = arith.constant 0 : i32
          %dma_wait3A_218 = tpu.memref_slice %arg21[%dma_wait3A_216, %dma_wait3A_217] : memref<10000x128xf32, #tpu.memory_space<vmem_shared>> -> memref<10000x128xf32, #tpu.memory_space<vmem_shared>>
          tpu.wait_indirect_dma semaphore(%run_scoped3A : memref<!tpu.dma_semaphore, #tpu.memory_space<semaphore_mem>>) src(%arg16 : memref<128x128xf32, #tpu.memory_space<vmem>>) dst(%dma_wait3A_218 : memref<10000x128xf32, #tpu.memory_space<vmem_shared>>)
          tpu.yield
        }) : () -> ()
        %get3A_190 = arith.constant 0 : index
        %get3A_191 = tpu.vector_load %arg12[%get3A_190] {strides = array<i32>} : memref<128xi32, #tpu.memory_space<vmem>>, vector<16xi32>,
        tpu.vector_store_idx %arg20[%get3A_191], %broadcast_in_dim3A_75 {add = true} : memref<10000xf32, #tpu.memory_space<vmem>>[vector<16xi32>], vector<16xf32>,
        %get3A_192 = arith.constant 16 : index
        %get3A_193 = tpu.vector_load %arg12[%get3A_192] {strides = array<i32>} : memref<128xi32, #tpu.memory_space<vmem>>, vector<16xi32>,
        tpu.vector_store_idx %arg20[%get3A_193], %broadcast_in_dim3A_75 {add = true} : memref<10000xf32, #tpu.memory_space<vmem>>[vector<16xi32>], vector<16xf32>,
        %get3A_194 = arith.constant 32 : index
        %get3A_195 = tpu.vector_load %arg12[%get3A_194] {strides = array<i32>} : memref<128xi32, #tpu.memory_space<vmem>>, vector<16xi32>,
        tpu.vector_store_idx %arg20[%get3A_195], %broadcast_in_dim3A_75 {add = true} : memref<10000xf32, #tpu.memory_space<vmem>>[vector<16xi32>], vector<16xf32>,
        %get3A_196 = arith.constant 48 : index
        %get3A_197 = tpu.vector_load %arg12[%get3A_196] {strides = array<i32>} : memref<128xi32, #tpu.memory_space<vmem>>, vector<16xi32>,
        tpu.vector_store_idx %arg20[%get3A_197], %broadcast_in_dim3A_75 {add = true} : memref<10000xf32, #tpu.memory_space<vmem>>[vector<16xi32>], vector<16xf32>,
        %get3A_198 = arith.constant 64 : index
        %get3A_199 = tpu.vector_load %arg12[%get3A_198] {strides = array<i32>} : memref<128xi32, #tpu.memory_space<vmem>>, vector<16xi32>,
        tpu.vector_store_idx %arg20[%get3A_199], %broadcast_in_dim3A_75 {add = true} : memref<10000xf32, #tpu.memory_space<vmem>>[vector<16xi32>], vector<16xf32>,
        %get3A_200 = arith.constant 80 : index
        %get3A_201 = tpu.vector_load %arg12[%get3A_200] {strides = array<i32>} : memref<128xi32, #tpu.memory_space<vmem>>, vector<16xi32>,
        tpu.vector_store_idx %arg20[%get3A_201], %broadcast_in_dim3A_75 {add = true} : memref<10000xf32, #tpu.memory_space<vmem>>[vector<16xi32>], vector<16xf32>,
        %get3A_202 = arith.constant 96 : index
        %get3A_203 = tpu.vector_load %arg12[%get3A_202] {strides = array<i32>} : memref<128xi32, #tpu.memory_space<vmem>>, vector<16xi32>,
        tpu.vector_store_idx %arg20[%get3A_203], %broadcast_in_dim3A_75 {add = true} : memref<10000xf32, #tpu.memory_space<vmem>>[vector<16xi32>], vector<16xf32>,
        %get3A_204 = arith.constant 112 : index
        %get3A_205 = tpu.vector_load %arg12[%get3A_204] {strides = array<i32>} : memref<128xi32, #tpu.memory_space<vmem>>, vector<16xi32>,
        tpu.vector_store_idx %arg20[%get3A_205], %broadcast_in_dim3A_75 {add = true} : memref<10000xf32, #tpu.memory_space<vmem>>[vector<16xi32>], vector<16xf32>,
        %add3A_206 = arith.constant 4 : i32
        %add3A_207 = arith.addi %scan3A_102, %add3A_206 : i32
        %lt3A_208 = arith.constant 78 : i32
        %lt3A_209 = arith.cmpi slt, %add3A_207, %lt3A_208 : i32
        %convert_element_type3A_210 = arith.extui %lt3A_209 : i1 to i32
        %cond3A_211 = arith.constant 0 : i32
        %cond3A_212 = arith.cmpi ne, %convert_element_type3A_210, %cond3A_211 : i32
        scf.if %cond3A_212 {
          %add3A_213 = arith.constant 4 : i32
          %add3A_214 = arith.addi %scan3A_102, %add3A_213 : i32
          %mul3A_215 = arith.constant 128 : i32
          %mul3A_216 = arith.muli %add3A_214, %mul3A_215 : i32
          %add3A_217 = arith.addi %mul3A_2, %mul3A_216 : i32
          %multiple_of3A_218 = tpu.assume_multiple %add3A_217, 8 : i32
          %add3A_219 = arith.constant 320000 : i32
          %add3A_220 = arith.addi %add3A_219, %mul3A_2 : i32
          %mul3A_221 = arith.constant 128 : i32
          %mul3A_222 = arith.muli %add3A_214, %mul3A_221 : i32
          %add3A_223 = arith.addi %add3A_220, %mul3A_222 : i32
          %multiple_of3A_224 = tpu.assume_multiple %add3A_223, 8 : i32
          %dma_start3A_225 = tpu.memref_slice %arg3[%multiple_of3A_218] : memref<640000xi32, #tpu.memory_space<hbm>> -> memref<128xi32, #tpu.memory_space<hbm>>
          %dma_start3A_226 = tpu.memref_slice %arg3[%multiple_of3A_218] : memref<640000xi32, #tpu.memory_space<hbm>> -> memref<128xi32, #tpu.memory_space<hbm>>
          tpu.enqueue_dma source(%dma_start3A_226 : memref<128xi32, #tpu.memory_space<hbm>>) target(%arg8 : memref<128xi32, #tpu.memory_space<vmem>>) target_semaphore(%arg25 : memref<!tpu.dma_semaphore, #tpu.memory_space<semaphore_mem>>)
          %dma_start3A_227 = tpu.memref_slice %arg3[%multiple_of3A_224] : memref<640000xi32, #tpu.memory_space<hbm>> -> memref<128xi32, #tpu.memory_space<hbm>>
          %dma_start3A_228 = tpu.memref_slice %arg3[%multiple_of3A_224] : memref<640000xi32, #tpu.memory_space<hbm>> -> memref<128xi32, #tpu.memory_space<hbm>>
          tpu.enqueue_dma source(%dma_start3A_228 : memref<128xi32, #tpu.memory_space<hbm>>) target(%arg12 : memref<128xi32, #tpu.memory_space<vmem>>) target_semaphore(%arg25 : memref<!tpu.dma_semaphore, #tpu.memory_space<semaphore_mem>>)
        } else {
        }
      } else {
      }
      %jit3A_137 = arith.constant 4 : i32
      %eq3A_138 = arith.constant 0 : i32
      %eq3A_139 = arith.cmpi eq, %jit3A_137, %eq3A_138 : i32
      %jit3A_140 = arith.constant 1 : i32
      %select_n3A_141 = arith.select %eq3A_139, %jit3A_140, %jit3A_137 : i32
      %rem3A_142 = arith.remsi %scan3A_102, %select_n3A_141 : i32
      %ne3A_143 = arith.constant 0 : i32
      %ne3A_144 = arith.cmpi ne, %rem3A_142, %ne3A_143 : i32
      %lt3A_145 = arith.constant 0 : i32
      %lt3A_146 = arith.cmpi slt, %rem3A_142, %lt3A_145 : i32
      %lt3A_147 = arith.constant 0 : i32
      %lt3A_148 = arith.cmpi slt, %select_n3A_141, %lt3A_147 : i32
      %ne3A_149 = arith.xori %lt3A_146, %lt3A_148 : i1
      %and3A_150 = arith.andi %ne3A_149, %ne3A_144 : i1
      %add3A_151 = arith.addi %rem3A_142, %select_n3A_141 : i32
      %select_n3A_152 = arith.select %and3A_150, %add3A_151, %rem3A_142 : i32
      %eq3A_153 = arith.constant 2 : i32
      %eq3A_154 = arith.cmpi eq, %select_n3A_152, %eq3A_153 : i32
      %convert_element_type3A_155 = arith.extui %eq3A_154 : i1 to i32
      %cond3A_156 = arith.constant 0 : i32
      %cond3A_157 = arith.cmpi ne, %convert_element_type3A_155, %cond3A_156 : i32
      scf.if %cond3A_157 {
        %dma_wait3A_180 = arith.constant 0 : i32
        %dma_wait3A_181 = arith.constant 0 : i32
        %dma_wait3A_182 = tpu.memref_slice %arg2[%dma_wait3A_180, %dma_wait3A_181] : memref<10000x128xf32, #tpu.memory_space<hbm>> -> memref<10000x128xf32, #tpu.memory_space<hbm>>
        tpu.wait_indirect_dma semaphore(%arg22 : memref<!tpu.dma_semaphore, #tpu.memory_space<semaphore_mem>>) src(%dma_wait3A_182 : memref<10000x128xf32, #tpu.memory_space<hbm>>) dst(%arg15 : memref<128x128xf32, #tpu.memory_space<vmem>>)
        %add3A_183 = arith.constant 1 : i32
        %add3A_184 = arith.addi %scan3A_102, %add3A_183 : i32
        %lt3A_185 = arith.constant 78 : i32
        %lt3A_186 = arith.cmpi slt, %add3A_184, %lt3A_185 : i32
        %convert_element_type3A_187 = arith.extui %lt3A_186 : i1 to i32
        %cond3A_188 = arith.constant 0 : i32
        %cond3A_189 = arith.cmpi ne, %convert_element_type3A_187, %cond3A_188 : i32
        scf.if %cond3A_189 {
          %add3A_213 = arith.constant 1 : i32
          %add3A_214 = arith.addi %scan3A_102, %add3A_213 : i32
          %mul3A_215 = arith.constant 128 : i32
          %mul3A_216 = arith.muli %add3A_214, %mul3A_215 : i32
          %add3A_217 = arith.addi %mul3A_2, %mul3A_216 : i32
          %multiple_of3A_218 = tpu.assume_multiple %add3A_217, 8 : i32
          %add3A_219 = arith.constant 320000 : i32
          %add3A_220 = arith.addi %add3A_219, %mul3A_2 : i32
          %mul3A_221 = arith.constant 128 : i32
          %mul3A_222 = arith.muli %add3A_214, %mul3A_221 : i32
          %add3A_223 = arith.addi %add3A_220, %mul3A_222 : i32
          %multiple_of3A_224 = tpu.assume_multiple %add3A_223, 8 : i32
          %dma_wait3A_225 = tpu.memref_slice %arg3[%multiple_of3A_218] : memref<640000xi32, #tpu.memory_space<hbm>> -> memref<128xi32, #tpu.memory_space<hbm>>
          %dma_wait3A_226 = tpu.memref_slice %arg3[%multiple_of3A_218] : memref<640000xi32, #tpu.memory_space<hbm>> -> memref<128xi32, #tpu.memory_space<hbm>>
          tpu.wait_dma2 semaphore(%arg27 : memref<!tpu.dma_semaphore, #tpu.memory_space<semaphore_mem>>) src(%dma_wait3A_226 : memref<128xi32, #tpu.memory_space<hbm>>) dst(%arg10 : memref<128xi32, #tpu.memory_space<vmem>>)
          %dma_wait3A_227 = tpu.memref_slice %arg3[%multiple_of3A_224] : memref<640000xi32, #tpu.memory_space<hbm>> -> memref<128xi32, #tpu.memory_space<hbm>>
          %dma_wait3A_228 = tpu.memref_slice %arg3[%multiple_of3A_224] : memref<640000xi32, #tpu.memory_space<hbm>> -> memref<128xi32, #tpu.memory_space<hbm>>
          tpu.wait_dma2 semaphore(%arg27 : memref<!tpu.dma_semaphore, #tpu.memory_space<semaphore_mem>>) src(%dma_wait3A_228 : memref<128xi32, #tpu.memory_space<hbm>>) dst(%arg14 : memref<128xi32, #tpu.memory_space<vmem>>)
          %dma_start3A_229 = arith.constant 0 : i32
          %dma_start3A_230 = arith.constant 0 : i32
          %dma_start3A_231 = tpu.memref_slice %arg2[%dma_start3A_229, %dma_start3A_230] : memref<10000x128xf32, #tpu.memory_space<hbm>> -> memref<10000x128xf32, #tpu.memory_space<hbm>>
          tpu.enqueue_indirect_dma source(%dma_start3A_231 : memref<10000x128xf32, #tpu.memory_space<hbm>>) target(%arg16 : memref<128x128xf32, #tpu.memory_space<vmem>>) offsets(%arg10 : memref<128xi32, #tpu.memory_space<vmem>>) semaphore(%arg23 : memref<!tpu.dma_semaphore, #tpu.memory_space<semaphore_mem>>)
        } else {
        }
        "tpu.region"() ({
          %run_scoped3A = tpu.sem_alloc : memref<!tpu.dma_semaphore, #tpu.memory_space<semaphore_mem>>
          %dma_start3A_213 = arith.constant 0 : i32
          %dma_start3A_214 = arith.constant 0 : i32
          %dma_start3A_215 = tpu.memref_slice %arg21[%dma_start3A_213, %dma_start3A_214] : memref<10000x128xf32, #tpu.memory_space<vmem_shared>> -> memref<10000x128xf32, #tpu.memory_space<vmem_shared>>
          tpu.enqueue_indirect_dma source(%arg15 : memref<128x128xf32, #tpu.memory_space<vmem>>) target(%dma_start3A_215 : memref<10000x128xf32, #tpu.memory_space<vmem_shared>>) offsets(%arg13 : memref<128xi32, #tpu.memory_space<vmem>>) semaphore(%run_scoped3A : memref<!tpu.dma_semaphore, #tpu.memory_space<semaphore_mem>>) {add = true}
          %dma_wait3A_216 = arith.constant 0 : i32
          %dma_wait3A_217 = arith.constant 0 : i32
          %dma_wait3A_218 = tpu.memref_slice %arg21[%dma_wait3A_216, %dma_wait3A_217] : memref<10000x128xf32, #tpu.memory_space<vmem_shared>> -> memref<10000x128xf32, #tpu.memory_space<vmem_shared>>
          tpu.wait_indirect_dma semaphore(%run_scoped3A : memref<!tpu.dma_semaphore, #tpu.memory_space<semaphore_mem>>) src(%arg15 : memref<128x128xf32, #tpu.memory_space<vmem>>) dst(%dma_wait3A_218 : memref<10000x128xf32, #tpu.memory_space<vmem_shared>>)
          tpu.yield
        }) : () -> ()
        %get3A_190 = arith.constant 0 : index
        %get3A_191 = tpu.vector_load %arg13[%get3A_190] {strides = array<i32>} : memref<128xi32, #tpu.memory_space<vmem>>, vector<16xi32>,
        tpu.vector_store_idx %arg20[%get3A_191], %broadcast_in_dim3A_75 {add = true} : memref<10000xf32, #tpu.memory_space<vmem>>[vector<16xi32>], vector<16xf32>,
        %get3A_192 = arith.constant 16 : index
        %get3A_193 = tpu.vector_load %arg13[%get3A_192] {strides = array<i32>} : memref<128xi32, #tpu.memory_space<vmem>>, vector<16xi32>,
        tpu.vector_store_idx %arg20[%get3A_193], %broadcast_in_dim3A_75 {add = true} : memref<10000xf32, #tpu.memory_space<vmem>>[vector<16xi32>], vector<16xf32>,
        %get3A_194 = arith.constant 32 : index
        %get3A_195 = tpu.vector_load %arg13[%get3A_194] {strides = array<i32>} : memref<128xi32, #tpu.memory_space<vmem>>, vector<16xi32>,
        tpu.vector_store_idx %arg20[%get3A_195], %broadcast_in_dim3A_75 {add = true} : memref<10000xf32, #tpu.memory_space<vmem>>[vector<16xi32>], vector<16xf32>,
        %get3A_196 = arith.constant 48 : index
        %get3A_197 = tpu.vector_load %arg13[%get3A_196] {strides = array<i32>} : memref<128xi32, #tpu.memory_space<vmem>>, vector<16xi32>,
        tpu.vector_store_idx %arg20[%get3A_197], %broadcast_in_dim3A_75 {add = true} : memref<10000xf32, #tpu.memory_space<vmem>>[vector<16xi32>], vector<16xf32>,
        %get3A_198 = arith.constant 64 : index
        %get3A_199 = tpu.vector_load %arg13[%get3A_198] {strides = array<i32>} : memref<128xi32, #tpu.memory_space<vmem>>, vector<16xi32>,
        tpu.vector_store_idx %arg20[%get3A_199], %broadcast_in_dim3A_75 {add = true} : memref<10000xf32, #tpu.memory_space<vmem>>[vector<16xi32>], vector<16xf32>,
        %get3A_200 = arith.constant 80 : index
        %get3A_201 = tpu.vector_load %arg13[%get3A_200] {strides = array<i32>} : memref<128xi32, #tpu.memory_space<vmem>>, vector<16xi32>,
        tpu.vector_store_idx %arg20[%get3A_201], %broadcast_in_dim3A_75 {add = true} : memref<10000xf32, #tpu.memory_space<vmem>>[vector<16xi32>], vector<16xf32>,
        %get3A_202 = arith.constant 96 : index
        %get3A_203 = tpu.vector_load %arg13[%get3A_202] {strides = array<i32>} : memref<128xi32, #tpu.memory_space<vmem>>, vector<16xi32>,
        tpu.vector_store_idx %arg20[%get3A_203], %broadcast_in_dim3A_75 {add = true} : memref<10000xf32, #tpu.memory_space<vmem>>[vector<16xi32>], vector<16xf32>,
        %get3A_204 = arith.constant 112 : index
        %get3A_205 = tpu.vector_load %arg13[%get3A_204] {strides = array<i32>} : memref<128xi32, #tpu.memory_space<vmem>>, vector<16xi32>,
        tpu.vector_store_idx %arg20[%get3A_205], %broadcast_in_dim3A_75 {add = true} : memref<10000xf32, #tpu.memory_space<vmem>>[vector<16xi32>], vector<16xf32>,
        %add3A_206 = arith.constant 4 : i32
        %add3A_207 = arith.addi %scan3A_102, %add3A_206 : i32
        %lt3A_208 = arith.constant 78 : i32
        %lt3A_209 = arith.cmpi slt, %add3A_207, %lt3A_208 : i32
        %convert_element_type3A_210 = arith.extui %lt3A_209 : i1 to i32
        %cond3A_211 = arith.constant 0 : i32
        %cond3A_212 = arith.cmpi ne, %convert_element_type3A_210, %cond3A_211 : i32
        scf.if %cond3A_212 {
          %add3A_213 = arith.constant 4 : i32
          %add3A_214 = arith.addi %scan3A_102, %add3A_213 : i32
          %mul3A_215 = arith.constant 128 : i32
          %mul3A_216 = arith.muli %add3A_214, %mul3A_215 : i32
          %add3A_217 = arith.addi %mul3A_2, %mul3A_216 : i32
          %multiple_of3A_218 = tpu.assume_multiple %add3A_217, 8 : i32
          %add3A_219 = arith.constant 320000 : i32
          %add3A_220 = arith.addi %add3A_219, %mul3A_2 : i32
          %mul3A_221 = arith.constant 128 : i32
          %mul3A_222 = arith.muli %add3A_214, %mul3A_221 : i32
          %add3A_223 = arith.addi %add3A_220, %mul3A_222 : i32
          %multiple_of3A_224 = tpu.assume_multiple %add3A_223, 8 : i32
          %dma_start3A_225 = tpu.memref_slice %arg3[%multiple_of3A_218] : memref<640000xi32, #tpu.memory_space<hbm>> -> memref<128xi32, #tpu.memory_space<hbm>>
          %dma_start3A_226 = tpu.memref_slice %arg3[%multiple_of3A_218] : memref<640000xi32, #tpu.memory_space<hbm>> -> memref<128xi32, #tpu.memory_space<hbm>>
          tpu.enqueue_dma source(%dma_start3A_226 : memref<128xi32, #tpu.memory_space<hbm>>) target(%arg9 : memref<128xi32, #tpu.memory_space<vmem>>) target_semaphore(%arg26 : memref<!tpu.dma_semaphore, #tpu.memory_space<semaphore_mem>>)
          %dma_start3A_227 = tpu.memref_slice %arg3[%multiple_of3A_224] : memref<640000xi32, #tpu.memory_space<hbm>> -> memref<128xi32, #tpu.memory_space<hbm>>
          %dma_start3A_228 = tpu.memref_slice %arg3[%multiple_of3A_224] : memref<640000xi32, #tpu.memory_space<hbm>> -> memref<128xi32, #tpu.memory_space<hbm>>
          tpu.enqueue_dma source(%dma_start3A_228 : memref<128xi32, #tpu.memory_space<hbm>>) target(%arg13 : memref<128xi32, #tpu.memory_space<vmem>>) target_semaphore(%arg26 : memref<!tpu.dma_semaphore, #tpu.memory_space<semaphore_mem>>)
        } else {
        }
      } else {
      }
      %jit3A_158 = arith.constant 4 : i32
      %eq3A_159 = arith.constant 0 : i32
      %eq3A_160 = arith.cmpi eq, %jit3A_158, %eq3A_159 : i32
      %jit3A_161 = arith.constant 1 : i32
      %select_n3A_162 = arith.select %eq3A_160, %jit3A_161, %jit3A_158 : i32
      %rem3A_163 = arith.remsi %scan3A_102, %select_n3A_162 : i32
      %ne3A_164 = arith.constant 0 : i32
      %ne3A_165 = arith.cmpi ne, %rem3A_163, %ne3A_164 : i32
      %lt3A_166 = arith.constant 0 : i32
      %lt3A_167 = arith.cmpi slt, %rem3A_163, %lt3A_166 : i32
      %lt3A_168 = arith.constant 0 : i32
      %lt3A_169 = arith.cmpi slt, %select_n3A_162, %lt3A_168 : i32
      %ne3A_170 = arith.xori %lt3A_167, %lt3A_169 : i1
      %and3A_171 = arith.andi %ne3A_170, %ne3A_165 : i1
      %add3A_172 = arith.addi %rem3A_163, %select_n3A_162 : i32
      %select_n3A_173 = arith.select %and3A_171, %add3A_172, %rem3A_163 : i32
      %eq3A_174 = arith.constant 3 : i32
      %eq3A_175 = arith.cmpi eq, %select_n3A_173, %eq3A_174 : i32
      %convert_element_type3A_176 = arith.extui %eq3A_175 : i1 to i32
      %cond3A_177 = arith.constant 0 : i32
      %cond3A_178 = arith.cmpi ne, %convert_element_type3A_176, %cond3A_177 : i32
      scf.if %cond3A_178 {
        %dma_wait3A_180 = arith.constant 0 : i32
        %dma_wait3A_181 = arith.constant 0 : i32
        %dma_wait3A_182 = tpu.memref_slice %arg2[%dma_wait3A_180, %dma_wait3A_181] : memref<10000x128xf32, #tpu.memory_space<hbm>> -> memref<10000x128xf32, #tpu.memory_space<hbm>>
        tpu.wait_indirect_dma semaphore(%arg23 : memref<!tpu.dma_semaphore, #tpu.memory_space<semaphore_mem>>) src(%dma_wait3A_182 : memref<10000x128xf32, #tpu.memory_space<hbm>>) dst(%arg16 : memref<128x128xf32, #tpu.memory_space<vmem>>)
        %add3A_183 = arith.constant 1 : i32
        %add3A_184 = arith.addi %scan3A_102, %add3A_183 : i32
        %lt3A_185 = arith.constant 78 : i32
        %lt3A_186 = arith.cmpi slt, %add3A_184, %lt3A_185 : i32
        %convert_element_type3A_187 = arith.extui %lt3A_186 : i1 to i32
        %cond3A_188 = arith.constant 0 : i32
        %cond3A_189 = arith.cmpi ne, %convert_element_type3A_187, %cond3A_188 : i32
        scf.if %cond3A_189 {
          %add3A_213 = arith.constant 1 : i32
          %add3A_214 = arith.addi %scan3A_102, %add3A_213 : i32
          %mul3A_215 = arith.constant 128 : i32
          %mul3A_216 = arith.muli %add3A_214, %mul3A_215 : i32
          %add3A_217 = arith.addi %mul3A_2, %mul3A_216 : i32
          %multiple_of3A_218 = tpu.assume_multiple %add3A_217, 8 : i32
          %add3A_219 = arith.constant 320000 : i32
          %add3A_220 = arith.addi %add3A_219, %mul3A_2 : i32
          %mul3A_221 = arith.constant 128 : i32
          %mul3A_222 = arith.muli %add3A_214, %mul3A_221 : i32
          %add3A_223 = arith.addi %add3A_220, %mul3A_222 : i32
          %multiple_of3A_224 = tpu.assume_multiple %add3A_223, 8 : i32
          %dma_wait3A_225 = tpu.memref_slice %arg3[%multiple_of3A_218] : memref<640000xi32, #tpu.memory_space<hbm>> -> memref<128xi32, #tpu.memory_space<hbm>>
          %dma_wait3A_226 = tpu.memref_slice %arg3[%multiple_of3A_218] : memref<640000xi32, #tpu.memory_space<hbm>> -> memref<128xi32, #tpu.memory_space<hbm>>
          tpu.wait_dma2 semaphore(%arg24 : memref<!tpu.dma_semaphore, #tpu.memory_space<semaphore_mem>>) src(%dma_wait3A_226 : memref<128xi32, #tpu.memory_space<hbm>>) dst(%arg7 : memref<128xi32, #tpu.memory_space<vmem>>)
          %dma_wait3A_227 = tpu.memref_slice %arg3[%multiple_of3A_224] : memref<640000xi32, #tpu.memory_space<hbm>> -> memref<128xi32, #tpu.memory_space<hbm>>
          %dma_wait3A_228 = tpu.memref_slice %arg3[%multiple_of3A_224] : memref<640000xi32, #tpu.memory_space<hbm>> -> memref<128xi32, #tpu.memory_space<hbm>>
          tpu.wait_dma2 semaphore(%arg24 : memref<!tpu.dma_semaphore, #tpu.memory_space<semaphore_mem>>) src(%dma_wait3A_228 : memref<128xi32, #tpu.memory_space<hbm>>) dst(%arg11 : memref<128xi32, #tpu.memory_space<vmem>>)
          %dma_start3A_229 = arith.constant 0 : i32
          %dma_start3A_230 = arith.constant 0 : i32
          %dma_start3A_231 = tpu.memref_slice %arg2[%dma_start3A_229, %dma_start3A_230] : memref<10000x128xf32, #tpu.memory_space<hbm>> -> memref<10000x128xf32, #tpu.memory_space<hbm>>
          tpu.enqueue_indirect_dma source(%dma_start3A_231 : memref<10000x128xf32, #tpu.memory_space<hbm>>) target(%arg15 : memref<128x128xf32, #tpu.memory_space<vmem>>) offsets(%arg7 : memref<128xi32, #tpu.memory_space<vmem>>) semaphore(%arg22 : memref<!tpu.dma_semaphore, #tpu.memory_space<semaphore_mem>>)
        } else {
        }
        "tpu.region"() ({
          %run_scoped3A = tpu.sem_alloc : memref<!tpu.dma_semaphore, #tpu.memory_space<semaphore_mem>>
          %dma_start3A_213 = arith.constant 0 : i32
          %dma_start3A_214 = arith.constant 0 : i32
          %dma_start3A_215 = tpu.memref_slice %arg21[%dma_start3A_213, %dma_start3A_214] : memref<10000x128xf32, #tpu.memory_space<vmem_shared>> -> memref<10000x128xf32, #tpu.memory_space<vmem_shared>>
          tpu.enqueue_indirect_dma source(%arg16 : memref<128x128xf32, #tpu.memory_space<vmem>>) target(%dma_start3A_215 : memref<10000x128xf32, #tpu.memory_space<vmem_shared>>) offsets(%arg14 : memref<128xi32, #tpu.memory_space<vmem>>) semaphore(%run_scoped3A : memref<!tpu.dma_semaphore, #tpu.memory_space<semaphore_mem>>) {add = true}
          %dma_wait3A_216 = arith.constant 0 : i32
          %dma_wait3A_217 = arith.constant 0 : i32
          %dma_wait3A_218 = tpu.memref_slice %arg21[%dma_wait3A_216, %dma_wait3A_217] : memref<10000x128xf32, #tpu.memory_space<vmem_shared>> -> memref<10000x128xf32, #tpu.memory_space<vmem_shared>>
          tpu.wait_indirect_dma semaphore(%run_scoped3A : memref<!tpu.dma_semaphore, #tpu.memory_space<semaphore_mem>>) src(%arg16 : memref<128x128xf32, #tpu.memory_space<vmem>>) dst(%dma_wait3A_218 : memref<10000x128xf32, #tpu.memory_space<vmem_shared>>)
          tpu.yield
        }) : () -> ()
        %get3A_190 = arith.constant 0 : index
        %get3A_191 = tpu.vector_load %arg14[%get3A_190] {strides = array<i32>} : memref<128xi32, #tpu.memory_space<vmem>>, vector<16xi32>,
        tpu.vector_store_idx %arg20[%get3A_191], %broadcast_in_dim3A_75 {add = true} : memref<10000xf32, #tpu.memory_space<vmem>>[vector<16xi32>], vector<16xf32>,
        %get3A_192 = arith.constant 16 : index
        %get3A_193 = tpu.vector_load %arg14[%get3A_192] {strides = array<i32>} : memref<128xi32, #tpu.memory_space<vmem>>, vector<16xi32>,
        tpu.vector_store_idx %arg20[%get3A_193], %broadcast_in_dim3A_75 {add = true} : memref<10000xf32, #tpu.memory_space<vmem>>[vector<16xi32>], vector<16xf32>,
        %get3A_194 = arith.constant 32 : index
        %get3A_195 = tpu.vector_load %arg14[%get3A_194] {strides = array<i32>} : memref<128xi32, #tpu.memory_space<vmem>>, vector<16xi32>,
        tpu.vector_store_idx %arg20[%get3A_195], %broadcast_in_dim3A_75 {add = true} : memref<10000xf32, #tpu.memory_space<vmem>>[vector<16xi32>], vector<16xf32>,
        %get3A_196 = arith.constant 48 : index
        %get3A_197 = tpu.vector_load %arg14[%get3A_196] {strides = array<i32>} : memref<128xi32, #tpu.memory_space<vmem>>, vector<16xi32>,
        tpu.vector_store_idx %arg20[%get3A_197], %broadcast_in_dim3A_75 {add = true} : memref<10000xf32, #tpu.memory_space<vmem>>[vector<16xi32>], vector<16xf32>,
        %get3A_198 = arith.constant 64 : index
        %get3A_199 = tpu.vector_load %arg14[%get3A_198] {strides = array<i32>} : memref<128xi32, #tpu.memory_space<vmem>>, vector<16xi32>,
        tpu.vector_store_idx %arg20[%get3A_199], %broadcast_in_dim3A_75 {add = true} : memref<10000xf32, #tpu.memory_space<vmem>>[vector<16xi32>], vector<16xf32>,
        %get3A_200 = arith.constant 80 : index
        %get3A_201 = tpu.vector_load %arg14[%get3A_200] {strides = array<i32>} : memref<128xi32, #tpu.memory_space<vmem>>, vector<16xi32>,
        tpu.vector_store_idx %arg20[%get3A_201], %broadcast_in_dim3A_75 {add = true} : memref<10000xf32, #tpu.memory_space<vmem>>[vector<16xi32>], vector<16xf32>,
        %get3A_202 = arith.constant 96 : index
        %get3A_203 = tpu.vector_load %arg14[%get3A_202] {strides = array<i32>} : memref<128xi32, #tpu.memory_space<vmem>>, vector<16xi32>,
        tpu.vector_store_idx %arg20[%get3A_203], %broadcast_in_dim3A_75 {add = true} : memref<10000xf32, #tpu.memory_space<vmem>>[vector<16xi32>], vector<16xf32>,
        %get3A_204 = arith.constant 112 : index
        %get3A_205 = tpu.vector_load %arg14[%get3A_204] {strides = array<i32>} : memref<128xi32, #tpu.memory_space<vmem>>, vector<16xi32>,
        tpu.vector_store_idx %arg20[%get3A_205], %broadcast_in_dim3A_75 {add = true} : memref<10000xf32, #tpu.memory_space<vmem>>[vector<16xi32>], vector<16xf32>,
        %add3A_206 = arith.constant 4 : i32
        %add3A_207 = arith.addi %scan3A_102, %add3A_206 : i32
        %lt3A_208 = arith.constant 78 : i32
        %lt3A_209 = arith.cmpi slt, %add3A_207, %lt3A_208 : i32
        %convert_element_type3A_210 = arith.extui %lt3A_209 : i1 to i32
        %cond3A_211 = arith.constant 0 : i32
        %cond3A_212 = arith.cmpi ne, %convert_element_type3A_210, %cond3A_211 : i32
        scf.if %cond3A_212 {
          %add3A_213 = arith.constant 4 : i32
          %add3A_214 = arith.addi %scan3A_102, %add3A_213 : i32
          %mul3A_215 = arith.constant 128 : i32
          %mul3A_216 = arith.muli %add3A_214, %mul3A_215 : i32
          %add3A_217 = arith.addi %mul3A_2, %mul3A_216 : i32
          %multiple_of3A_218 = tpu.assume_multiple %add3A_217, 8 : i32
          %add3A_219 = arith.constant 320000 : i32
          %add3A_220 = arith.addi %add3A_219, %mul3A_2 : i32
          %mul3A_221 = arith.constant 128 : i32
          %mul3A_222 = arith.muli %add3A_214, %mul3A_221 : i32
          %add3A_223 = arith.addi %add3A_220, %mul3A_222 : i32
          %multiple_of3A_224 = tpu.assume_multiple %add3A_223, 8 : i32
          %dma_start3A_225 = tpu.memref_slice %arg3[%multiple_of3A_218] : memref<640000xi32, #tpu.memory_space<hbm>> -> memref<128xi32, #tpu.memory_space<hbm>>
          %dma_start3A_226 = tpu.memref_slice %arg3[%multiple_of3A_218] : memref<640000xi32, #tpu.memory_space<hbm>> -> memref<128xi32, #tpu.memory_space<hbm>>
          tpu.enqueue_dma source(%dma_start3A_226 : memref<128xi32, #tpu.memory_space<hbm>>) target(%arg10 : memref<128xi32, #tpu.memory_space<vmem>>) target_semaphore(%arg27 : memref<!tpu.dma_semaphore, #tpu.memory_space<semaphore_mem>>)
          %dma_start3A_227 = tpu.memref_slice %arg3[%multiple_of3A_224] : memref<640000xi32, #tpu.memory_space<hbm>> -> memref<128xi32, #tpu.memory_space<hbm>>
          %dma_start3A_228 = tpu.memref_slice %arg3[%multiple_of3A_224] : memref<640000xi32, #tpu.memory_space<hbm>> -> memref<128xi32, #tpu.memory_space<hbm>>
          tpu.enqueue_dma source(%dma_start3A_228 : memref<128xi32, #tpu.memory_space<hbm>>) target(%arg14 : memref<128xi32, #tpu.memory_space<vmem>>) target_semaphore(%arg27 : memref<!tpu.dma_semaphore, #tpu.memory_space<semaphore_mem>>)
        } else {
        }
      } else {
      }
      %scan3A_179 = arith.constant 0 : i32
      scf.yield %scan3A_179 : i32
    }
    %scan3A_82 = arith.constant 78 : i32
    %add3A_83 = arith.constant 9984 : i32
    %add3A_84 = arith.addi %mul3A_2, %add3A_83 : i32
    %multiple_of3A_85 = tpu.assume_multiple %add3A_84, 8 : i32
    %add3A_86 = arith.constant 320000 : i32
    %add3A_87 = arith.addi %add3A_86, %mul3A_2 : i32
    %add3A_88 = arith.constant 9984 : i32
    %add3A_89 = arith.addi %add3A_87, %add3A_88 : i32
    %multiple_of3A_90 = tpu.assume_multiple %add3A_89, 8 : i32
    "tpu.region"() ({
      %run_scoped3A = tpu.sem_alloc : memref<!tpu.dma_semaphore, #tpu.memory_space<semaphore_mem>>
      %dma_start3A_102 = tpu.memref_slice %arg3[%multiple_of3A_85] : memref<640000xi32, #tpu.memory_space<hbm>> -> memref<16xi32, #tpu.memory_space<hbm>>
      %dma_start3A_103 = tpu.memref_slice %arg3[%multiple_of3A_85] : memref<640000xi32, #tpu.memory_space<hbm>> -> memref<16xi32, #tpu.memory_space<hbm>>
      tpu.enqueue_dma source(%dma_start3A_103 : memref<16xi32, #tpu.memory_space<hbm>>) target(%arg17 : memref<16xi32, #tpu.memory_space<vmem>>) target_semaphore(%run_scoped3A : memref<!tpu.dma_semaphore, #tpu.memory_space<semaphore_mem>>)
      %dma_wait3A_104 = tpu.memref_slice %arg3[%multiple_of3A_85] : memref<640000xi32, #tpu.memory_space<hbm>> -> memref<16xi32, #tpu.memory_space<hbm>>
      %dma_wait3A_105 = tpu.memref_slice %arg3[%multiple_of3A_85] : memref<640000xi32, #tpu.memory_space<hbm>> -> memref<16xi32, #tpu.memory_space<hbm>>
      tpu.wait_dma2 semaphore(%run_scoped3A : memref<!tpu.dma_semaphore, #tpu.memory_space<semaphore_mem>>) src(%dma_wait3A_105 : memref<16xi32, #tpu.memory_space<hbm>>) dst(%arg17 : memref<16xi32, #tpu.memory_space<vmem>>)
      tpu.yield
    }) : () -> ()
    "tpu.region"() ({
      %run_scoped3A = tpu.sem_alloc : memref<!tpu.dma_semaphore, #tpu.memory_space<semaphore_mem>>
      %dma_start3A_102 = tpu.memref_slice %arg3[%multiple_of3A_90] : memref<640000xi32, #tpu.memory_space<hbm>> -> memref<16xi32, #tpu.memory_space<hbm>>
      %dma_start3A_103 = tpu.memref_slice %arg3[%multiple_of3A_90] : memref<640000xi32, #tpu.memory_space<hbm>> -> memref<16xi32, #tpu.memory_space<hbm>>
      tpu.enqueue_dma source(%dma_start3A_103 : memref<16xi32, #tpu.memory_space<hbm>>) target(%arg18 : memref<16xi32, #tpu.memory_space<vmem>>) target_semaphore(%run_scoped3A : memref<!tpu.dma_semaphore, #tpu.memory_space<semaphore_mem>>)
      %dma_wait3A_104 = tpu.memref_slice %arg3[%multiple_of3A_90] : memref<640000xi32, #tpu.memory_space<hbm>> -> memref<16xi32, #tpu.memory_space<hbm>>
      %dma_wait3A_105 = tpu.memref_slice %arg3[%multiple_of3A_90] : memref<640000xi32, #tpu.memory_space<hbm>> -> memref<16xi32, #tpu.memory_space<hbm>>
      tpu.wait_dma2 semaphore(%run_scoped3A : memref<!tpu.dma_semaphore, #tpu.memory_space<semaphore_mem>>) src(%dma_wait3A_105 : memref<16xi32, #tpu.memory_space<hbm>>) dst(%arg18 : memref<16xi32, #tpu.memory_space<vmem>>)
      tpu.yield
    }) : () -> ()
    %dma_start3A_91 = arith.constant 0 : i32
    %dma_start3A_92 = arith.constant 0 : i32
    %dma_start3A_93 = tpu.memref_slice %arg2[%dma_start3A_91, %dma_start3A_92] : memref<10000x128xf32, #tpu.memory_space<hbm>> -> memref<10000x128xf32, #tpu.memory_space<hbm>>
    tpu.enqueue_indirect_dma source(%dma_start3A_93 : memref<10000x128xf32, #tpu.memory_space<hbm>>) target(%arg19 : memref<16x128xf32, #tpu.memory_space<vmem>>) offsets(%arg17 : memref<16xi32, #tpu.memory_space<vmem>>) semaphore(%arg22 : memref<!tpu.dma_semaphore, #tpu.memory_space<semaphore_mem>>)
    %dma_wait3A_94 = arith.constant 0 : i32
    %dma_wait3A_95 = arith.constant 0 : i32
    %dma_wait3A_96 = tpu.memref_slice %arg2[%dma_wait3A_94, %dma_wait3A_95] : memref<10000x128xf32, #tpu.memory_space<hbm>> -> memref<10000x128xf32, #tpu.memory_space<hbm>>
    tpu.wait_indirect_dma semaphore(%arg22 : memref<!tpu.dma_semaphore, #tpu.memory_space<semaphore_mem>>) src(%dma_wait3A_96 : memref<10000x128xf32, #tpu.memory_space<hbm>>) dst(%arg19 : memref<16x128xf32, #tpu.memory_space<vmem>>)
    "tpu.region"() ({
      %run_scoped3A = tpu.sem_alloc : memref<!tpu.dma_semaphore, #tpu.memory_space<semaphore_mem>>
      %dma_start3A_102 = arith.constant 0 : i32
      %dma_start3A_103 = arith.constant 0 : i32
      %dma_start3A_104 = tpu.memref_slice %arg21[%dma_start3A_102, %dma_start3A_103] : memref<10000x128xf32, #tpu.memory_space<vmem_shared>> -> memref<10000x128xf32, #tpu.memory_space<vmem_shared>>
      tpu.enqueue_indirect_dma source(%arg19 : memref<16x128xf32, #tpu.memory_space<vmem>>) target(%dma_start3A_104 : memref<10000x128xf32, #tpu.memory_space<vmem_shared>>) offsets(%arg18 : memref<16xi32, #tpu.memory_space<vmem>>) semaphore(%run_scoped3A : memref<!tpu.dma_semaphore, #tpu.memory_space<semaphore_mem>>) {add = true}
      %dma_wait3A_105 = arith.constant 0 : i32
      %dma_wait3A_106 = arith.constant 0 : i32
      %dma_wait3A_107 = tpu.memref_slice %arg21[%dma_wait3A_105, %dma_wait3A_106] : memref<10000x128xf32, #tpu.memory_space<vmem_shared>> -> memref<10000x128xf32, #tpu.memory_space<vmem_shared>>
      tpu.wait_indirect_dma semaphore(%run_scoped3A : memref<!tpu.dma_semaphore, #tpu.memory_space<semaphore_mem>>) src(%arg19 : memref<16x128xf32, #tpu.memory_space<vmem>>) dst(%dma_wait3A_107 : memref<10000x128xf32, #tpu.memory_space<vmem_shared>>)
      tpu.yield
    }) : () -> ()
    %get3A = arith.constant 0 : index
    %get3A_97 = tpu.vector_load %arg18[%get3A] {strides = array<i32>} : memref<16xi32, #tpu.memory_space<vmem>>, vector<16xi32>,
    tpu.vector_store_idx %arg20[%get3A_97], %broadcast_in_dim3A_75 {add = true} : memref<10000xf32, #tpu.memory_space<vmem>>[vector<16xi32>], vector<16xf32>,
    %barrier3A_98 = arith.constant 0 : index
    tpu.barrier barrier_id(%barrier3A_98)
    "tpu.region"() ({
      %run_scoped3A = tpu.sem_alloc : memref<!tpu.dma_semaphore, #tpu.memory_space<semaphore_mem>>
      %dma_start3A_102 = arith.constant 0 : i32
      %dma_start3A_103 = tpu.memref_slice %arg5[%arg0, %multiple_of3A_52, %dma_start3A_102] : memref<2x10000x128xf32, #tpu.memory_space<hbm>> -> memref<1x640x128xf32, #tpu.memory_space<hbm>>
      %dma_start3A_104 = tpu.memref_squeeze %dma_start3A_103 : memref<1x640x128xf32, #tpu.memory_space<hbm>> -> memref<640x128xf32, #tpu.memory_space<hbm>>
      %dma_start3A_105 = arith.constant 0 : i32
      %dma_start3A_106 = tpu.memref_slice %arg21[%multiple_of3A_52, %dma_start3A_105] : memref<10000x128xf32, #tpu.memory_space<vmem_shared>> -> memref<640x128xf32, #tpu.memory_space<vmem_shared>>
      tpu.enqueue_dma source(%dma_start3A_106 : memref<640x128xf32, #tpu.memory_space<vmem_shared>>) target(%dma_start3A_104 : memref<640x128xf32, #tpu.memory_space<hbm>>) target_semaphore(%run_scoped3A : memref<!tpu.dma_semaphore, #tpu.memory_space<semaphore_mem>>)
      %dma_wait3A_107 = arith.constant 0 : i32
      %dma_wait3A_108 = tpu.memref_slice %arg5[%arg0, %multiple_of3A_52, %dma_wait3A_107] : memref<2x10000x128xf32, #tpu.memory_space<hbm>> -> memref<1x640x128xf32, #tpu.memory_space<hbm>>
      %dma_wait3A_109 = tpu.memref_squeeze %dma_wait3A_108 : memref<1x640x128xf32, #tpu.memory_space<hbm>> -> memref<640x128xf32, #tpu.memory_space<hbm>>
      %dma_wait3A_110 = arith.constant 0 : i32
      %dma_wait3A_111 = tpu.memref_slice %arg21[%multiple_of3A_52, %dma_wait3A_110] : memref<10000x128xf32, #tpu.memory_space<vmem_shared>> -> memref<640x128xf32, #tpu.memory_space<vmem_shared>>
      tpu.wait_dma2 semaphore(%run_scoped3A : memref<!tpu.dma_semaphore, #tpu.memory_space<semaphore_mem>>) src(%dma_wait3A_111 : memref<640x128xf32, #tpu.memory_space<vmem_shared>>) dst(%dma_wait3A_109 : memref<640x128xf32, #tpu.memory_space<hbm>>)
      tpu.yield
    }) : () -> ()
    %mul3A_99 = arith.constant 10000 : i32
    %mul3A_100 = arith.muli %add3A, %mul3A_99 : i32
    %multiple_of3A_101 = tpu.assume_multiple %mul3A_100, 8 : i32
    "tpu.region"() ({
      %run_scoped3A = tpu.sem_alloc : memref<!tpu.dma_semaphore, #tpu.memory_space<semaphore_mem>>
      %dma_start3A_102 = tpu.memref_slice %arg6[%multiple_of3A_101] : memref<320000xf32, #tpu.memory_space<hbm>> -> memref<10000xf32, #tpu.memory_space<hbm>>
      %dma_start3A_103 = tpu.memref_slice %arg6[%multiple_of3A_101] : memref<320000xf32, #tpu.memory_space<hbm>> -> memref<10000xf32, #tpu.memory_space<hbm>>
      tpu.enqueue_dma source(%arg20 : memref<10000xf32, #tpu.memory_space<vmem>>) target(%dma_start3A_103 : memref<10000xf32, #tpu.memory_space<hbm>>) target_semaphore(%run_scoped3A : memref<!tpu.dma_semaphore, #tpu.memory_space<semaphore_mem>>)
      %dma_wait3A_104 = tpu.memref_slice %arg6[%multiple_of3A_101] : memref<320000xf32, #tpu.memory_space<hbm>> -> memref<10000xf32, #tpu.memory_space<hbm>>
      %dma_wait3A_105 = tpu.memref_slice %arg6[%multiple_of3A_101] : memref<320000xf32, #tpu.memory_space<hbm>> -> memref<10000xf32, #tpu.memory_space<hbm>>
      tpu.wait_dma2 semaphore(%run_scoped3A : memref<!tpu.dma_semaphore, #tpu.memory_space<semaphore_mem>>) src(%arg20 : memref<10000xf32, #tpu.memory_space<vmem>>) dst(%dma_wait3A_105 : memref<10000xf32, #tpu.memory_space<hbm>>)
      tpu.yield
    }) : () -> ()
    return
  }
}

module attributes {stable_mosaic.version = 14 : i64} {
  func.func @_combine_body(%arg0: memref<10000x128xf32, #tpu.memory_space<vmem>>, %arg1: memref<10000x128xf32, #tpu.memory_space<vmem>>, %arg2: memref<32x10000xf32, #tpu.memory_space<vmem>>, %arg3: memref<10000x128xf32, #tpu.memory_space<vmem>>) attributes {dimension_semantics = [], scalar_prefetch = 0 : i64, scratch_operands = 0 : i64, tpu.core_type = #tpu.core_type<tc>} {
    %get3A = arith.constant 0 : index
    %get3A_0 = arith.constant 0 : index
    %get3A_1 = vector.load %arg2[%get3A, %get3A_0] : memref<32x10000xf32, #tpu.memory_space<vmem>>, vector<32x10000xf32>
    %reduce_sum3A = arith.constant dense<0.000000e+00> : vector<10000xf32>
    %reduce_sum3A_2 = vector.multi_reduction <add>, %get3A_1, %reduce_sum3A [0] : vector<32x10000xf32> to vector<10000xf32>
    %get3A_3 = arith.constant 0 : index
    %get3A_4 = arith.constant 0 : index
    %get3A_5 = vector.load %arg0[%get3A_3, %get3A_4] : memref<10000x128xf32, #tpu.memory_space<vmem>>, vector<10000x128xf32>
    %get3A_6 = arith.constant 0 : index
    %get3A_7 = arith.constant 0 : index
    %get3A_8 = vector.load %arg1[%get3A_6, %get3A_7] : memref<10000x128xf32, #tpu.memory_space<vmem>>, vector<10000x128xf32>
    %add3A = arith.addf %get3A_5, %get3A_8 : vector<10000x128xf32>
    %max3A = arith.constant 1.000000e+00 : f32
    %max3A_9 = vector.broadcast %max3A : f32 to vector<10000xf32>
    %max3A_10 = arith.maximumf %reduce_sum3A_2, %max3A_9 : vector<10000xf32>
    %broadcast_in_dim3A = vector.shape_cast %max3A_10 : vector<10000xf32> to vector<10000x1xf32>
    %div3A = vector.broadcast %broadcast_in_dim3A : vector<10000x1xf32> to vector<10000x128xf32>
    %div3A_11 = arith.divf %add3A, %div3A : vector<10000x128xf32>
    %swap3A = arith.constant 0 : index
    %swap3A_12 = arith.constant 0 : index
    %swap3A_13 = vector.load %arg3[%swap3A, %swap3A_12] : memref<10000x128xf32, #tpu.memory_space<vmem>>, vector<10000x128xf32>
    tpu.vector_store %arg3[%swap3A, %swap3A_12], %div3A_11 {strides = array<i32>} : memref<10000x128xf32, #tpu.memory_space<vmem>>, vector<10000x128xf32>,
    return
  }
}

</mosaic_0001>

<sc_bundles>
// kernel: kernel.4.cloned.1.call-start
scs
__scs_entry_jumppad:
0x0: {  	(pc) =	sbr.rel $0x88, $3  }
0x1: {  	(tag) =	ssettag $0x0;
	lr =	simm.s32 $0x1  }
0x2: {  	[smem:$0x3F9F] =	sst lr;
	_ =	strace $0xD0000000  }
0x3: {  	_ = 	snop  }
0x4: {  	_ = 	snop  }
0x5: {  	_ = 	snop  }
0x6: {  	_ = 	snop  }
0x7: {  	_ = 	snop  }
__scs_overlays_trampoline_lowered:
0x8: {  	[smem:$0x3FAE] =	sst s0  }
0x9: {  	[smem:$0x3FAF] =	sst s1  }
0xa: {  	[smem:$0x3FB0] =	sst s2  }
0xb: {  	[smem:$0x3FB1] =	sst s3  }
0xc: {  	[smem:$0x3FB2] =	sst s4  }
0xd: {  	[smem:$0x3FB3] =	sst s5  }
0xe: {  	[smem:$0x3FB4] =	sst s6  }
0xf: {  	[smem:$0x3FB5] =	sst s7  }
0x10: {  	[smem:$0x3FB6] =	sst s8  }
0x11: {  	[smem:$0x3FB7] =	sst s9;
	s0 =	simm.s32 @!p0 $0x0  }
0x12: {  	s1 =	sld [smem:$0x3F9D];
	s0 =	simm.s32 @p0 $0x1  }
0x13: {  	[smem:$0x3FB8] =	sst s0;
	s0 =	simm.s32 @!p1 $0x0  }
0x14: {  	s2 =	sld [smem:$0x3F9C];
	s0 =	simm.s32 @p1 $0x1  }
0x15: {  	[smem:$0x3FB9] =	sst s0;
	s0 =	simm.s32 @!p2 $0x0  }
0x16: {  	s3 =	sld [smem:$0x3FDB];
	s0 =	simm.s32 @p2 $0x1  }
0x17: {  	s4 =	simm.s32 $0x1BF5;
	[smem:$0x3FBB] =	sst s0  }
0x18: {  	s0 =	sld [smem:$0x3F9E];
	_ =	swait.ge [sflag:s4], $0x0  }
0x19: {  	s7 =	sld [smem:$0x3F9F]  }
0x1a: {  	s8 =	sadd.s32 $0xFFFFE003, lr  }
0x1b: {  	s9 =	sadd.s32 $0xFFFFFEF7, lr;
	s5 =	simm.s32 $0xFFFFFFFF;
	p2 =	slt.u32 s8, $0xFFFFF086  }
0x1c: {  	p1 =	slt.u32 s9, $0xF7A;
	s5 =	simm.s32 @!p2 $0x0  }
0x1d: {  	s5 =	simm.s32 @p1 $0x1;
	p0 =	seq.s32 s7, s2  }
0x1e: {  	s7 =	smul.u32 @!p0 $0xF7A, s2;
	p2 =	seq.s32 @!p0 s5, $0x0  }
0x1f: {  	s9 =	smul.u32 $0xF7A, s1;
	s8 =	simm.s32 @!p0 $0x1BF5;
	p2 =	por !p2, p0  }
0x20: {  	[sflag:s8] =	ssyncset.s32 @!p0 $0xFFFFF086;
	s6 =	sadd.s32 @!p0 s3, s7;
	s7 =	simm.s32 @!p0 $0x108  }
0x21: {  	s3 =	sadd.s32 s3, s9;
	s6 =	sadd.s32 @!p0 $0x88, s6;
	s7 =	simm.s32 @p2 $0x1082  }
0x22: {  	[simem:s7], [sflag:s8] =	dma.local @!p0 [hbm:s6], $0xF7A  }
0x23: {  	s9 =	sor.u32 $0xD0000000, s2;
	s6 =	simm.s32 $0x108;
	_ =	swait.ge @!p0 [sflag:s8], $0x0  }
0x24: {  	s3 =	sadd.s32 $0x88, s3;
	s6 =	simm.s32 @!p1 $0x1082;
	[sflag:s4] =	ssyncset.s32 $0xFFFFF086  }
0x25: {  	[simem:s6], [sflag:s4] =	dma.local [hbm:s3], $0xF7A  }
0x26: {  	[smem:$0x3F9F] =	sst s1;
	(tag) =	ssettag s2;
	_ =	strace s9  }
0x27: {  	s1 =	sld [smem:$0x3FAF]  }
0x28: {  	s2 =	sld [smem:$0x3FB0]  }
0x29: {  	s4 =	sld [smem:$0x3FB2]  }
0x2a: {  	p0 =	seq.s32 s5, $0x0;
	s5 =	sld [smem:$0x3FB3]  }
0x2b: {  	s6 =	sld [smem:$0x3FB4]  }
0x2c: {  	s7 =	sld [smem:$0x3FB5]  }
0x2d: {  	s3 =	simm.s32 $0x108;
	s8 =	sld [smem:$0x3FB6]  }
0x2e: {  	s3 =	simm.s32 @!p0 $0x1082;
	s9 =	sld [smem:$0x3FB7]  }
0x2f: {  	lr =	sadd.s32 s0, s3;
	s0 =	sld [smem:$0x3FAE]  }
0x30: {  	s3 =	sld [smem:$0x3FB1]  }
0x31: {  	[smem:$0x3FBA] =	sst s10  }
0x32: {  	s10 =	sld [smem:$0x3FB8];
	_ =	sdelay $0x3  }
0x33: {  	p0 =	seq.s32 s10, $0x1;
	s10 =	sld [smem:$0x3FBA];
	_ =	sdelay $0x3  }
0x34: {  	[smem:$0x3FBA] =	sst s10  }
0x35: {  	s10 =	sld [smem:$0x3FB9];
	_ =	sdelay $0x3  }
0x36: {  	p1 =	seq.s32 s10, $0x1;
	s10 =	sld [smem:$0x3FBA];
	_ =	sdelay $0x3  }
0x37: {  	[smem:$0x3FBA] =	sst s10  }
0x38: {  	s10 =	sld [smem:$0x3FBB]  }
0x39: {  	_ = 	snop;
	(pc) =	sbr.ind lr, $3  }
0x3a: {  	_ = 	snop  }
0x3b: {  	_ = 	snop  }
0x3c: {  	p2 =	seq.s32 s10, $0x1;
	s10 =	sld [smem:$0x3FBA]  }
0x3d: {  	_ =	shalt  }
0x3e: {  	_ =	shalt  }
0x3f: {  	_ =	shalt  }
0x40: {  	_ =	shalt  }
0x41: {  	_ =	shalt  }
0x42: {  	_ =	shalt  }
0x43: {  	_ =	shalt  }
0x44: {  	_ =	shalt  }
0x45: {  	_ =	shalt  }
0x46: {  	_ =	shalt  }
0x47: {  	_ =	shalt  }
0x48: {  	_ =	shalt  }
0x49: {  	_ =	shalt  }
0x4a: {  	_ =	shalt  }
0x4b: {  	_ =	shalt  }
0x4c: {  	_ =	shalt  }
0x4d: {  	_ =	shalt  }
0x4e: {  	_ =	shalt  }
0x4f: {  	_ =	shalt  }
0x50: {  	_ =	shalt  }
0x51: {  	_ =	shalt  }
0x52: {  	_ =	shalt  }
0x53: {  	_ =	shalt  }
0x54: {  	_ =	shalt  }
0x55: {  	_ =	shalt  }
0x56: {  	_ =	shalt  }
0x57: {  	_ =	shalt  }
0x58: {  	_ =	shalt  }
0x59: {  	_ =	shalt  }
0x5a: {  	_ =	shalt  }
0x5b: {  	_ =	shalt  }
0x5c: {  	_ =	shalt  }
0x5d: {  	_ =	shalt  }
0x5e: {  	_ =	shalt  }
0x5f: {  	_ =	shalt  }
0x60: {  	_ =	shalt  }
0x61: {  	_ =	shalt  }
0x62: {  	_ =	shalt  }
0x63: {  	_ =	shalt  }
0x64: {  	_ =	shalt  }
0x65: {  	_ =	shalt  }
0x66: {  	_ =	shalt  }
0x67: {  	_ =	shalt  }
0x68: {  	_ =	shalt  }
0x69: {  	_ =	shalt  }
0x6a: {  	_ =	shalt  }
0x6b: {  	_ =	shalt  }
0x6c: {  	_ =	shalt  }
0x6d: {  	_ =	shalt  }
0x6e: {  	_ =	shalt  }
0x6f: {  	_ =	shalt  }
0x70: {  	_ =	shalt  }
0x71: {  	_ =	shalt  }
0x72: {  	_ =	shalt  }
0x73: {  	_ =	shalt  }
0x74: {  	_ =	shalt  }
0x75: {  	_ =	shalt  }
0x76: {  	_ =	shalt  }
0x77: {  	_ =	shalt  }
0x78: {  	_ =	shalt  }
0x79: {  	_ =	shalt  }
0x7a: {  	_ =	shalt  }
0x7b: {  	_ =	shalt  }
0x7c: {  	_ =	shalt  }
0x7d: {  	_ =	shalt  }
0x7e: {  	_ =	shalt  }
0x7f: {  	_ =	shalt  }
0x80: {  	_ =	shalt  }
0x81: {  	_ =	shalt  }
0x82: {  	_ =	shalt  }
0x83: {  	_ =	shalt  }
0x84: {  	_ =	shalt  }
0x85: {  	_ =	shalt  }
0x86: {  	_ =	shalt  }
0x87: {  	_ =	shalt  }
.Lfunc_end0:
.L_simem_size_0:
called_computation_lowered:
.L_overlay_start_0:
0x88: {  	s2 =	sld [smem:$0x3FD9]  }
0x89: {  	s3 =	sld [smem:$0x3FFE];
	_ =	sdelay $0x1  }
0x8a: {  	s1 =	srdreg.scid  }
0x8b: {  	s0 =	sand.u32 $0x1, s1  }
0x8c: {  	s17 =	sshll.u32 s0, $0xA;
	s2 =	sadd.s32 s3, s2  }
0x8d: {  	s2 =	sadd.s32 s2, s17  }
0x8e: {  	[smem:$0x3FC6] =	sst s2  }
0x8f: {  	_ = 	snop  }
0x90: {  	s2 =	sld [smem:$0x3FC9]  }
0x91: {  	s18 =	sld [smem:$0x3FD0];
	(tm) =	ssettm $0x1  }
0x92: {  	s4 =	sld [smem:$0x3FFB];
	_ =	sdelay $0x3  }
0x93: {  	_ =	strace s4  }
0x94: {  	s4 =	sld [smem:$0x3FFC];
	_ =	sdelay $0x3  }
0x95: {  	_ =	strace s4  }
0x96: {  	s4 =	sld [smem:$0x3FFD];
	_ =	sdelay $0x3  }
0x97: {  	_ =	strace s4  }
0x98: {  	_ =	strace $0x8FFFFFFF  }
0x99: {  	s19 =	sld [smem:$0x3FDB];
	_ =	sdelay $0x1  }
0x9a: {  	s5 =	simm.s32 $_scs_section_size  }
0x9b: {  	s6 =	simm.s32 $_size__tile_overlayer_lowered;
	s7 =	simm.s32 $_tile_overlayer_lowered  }
0x9c: {  	s22 =	simm.s32 $0x1BFF;
	s21 =	sshll.u32 s7, $0x1;
	s4 =	sadd.s32 s5, s19  }
0x9d: {  	s8 =	simm.s32 $0x0;
	s20 =	sshll.u32 s6, $0x1;
	s6 =	sadd.s32 s21, s4  }
0x9e: {  	[timem:s8], [sflag:s22] =	dma.local [hbm:s6], s20  }
0x9f: {  	_ =	swait.ge [sflag:s22], s20  }
0xa0: {  	s5 =	ssub.s32 $0x0, s20;
	[sflag:s22] =	ssyncset.done $0x0  }
0xa1: {  	[sflag:s22] =	ssyncadd.s32 s5;
	_ =	sdelay $0x1  }
0xa2: {  	s23 =	simm.s32 $0x1B8B  }
0xa3: {  	_ =	swait.ge [sflag:s23], $0x1  }
0xa4: {  	[sflag:s23] =	ssyncset.done $0x0  }
0xa5: {  	s25 =	simm.s32 $0x1B8E;
	s24 =	sld [smem:$0x3FFE];
	[sflag:s23] =	ssyncadd.s32 $0xFFFFFFFF  }
0xa6: {  	s26 =	simm.s32 $execute0_lowered;
	[smem:$0x3FD2] =	sst s25  }
0xa7: {  	s6 =	sshll.u32 s26, $0x1;
	_ =	strace $0x80000046;
	[dreg:$0x1] =	wrdreg $0xFFFFFFFF  }
0xa8: {  	s28 =	simm.s32 $_size_execute0_lowered;
	s4 =	sadd.s32 s4, s6;
	[dreg:$0x0] =	wrdreg $0x0  }
0xa9: {  	s6 =	sshll.u32 s28, $0x1;
	[dreg:$0x2] =	wrdreg s4  }
0xaa: {  	[dreg:$0x3] =	wrdreg s6  }
0xab: {  	[dreg:$0x4] =	wrdreg $0xC0  }
0xac: {  	_ =	task [dreg:s8], $0x5FFFF  }
0xad: {  	[dreg:$0x1] =	wrdreg $0xFFFFFFFF  }
0xae: {  	[dreg:$0x0] =	wrdreg $0x60  }
0xaf: {  	[dreg:$0x2] =	wrdreg s2  }
0xb0: {  	[dreg:$0x3] =	wrdreg s18  }
0xb1: {  	[dreg:$0x4] =	wrdreg s24  }
0xb2: {  	[dreg:$0x5] =	wrdreg $0xB4800  }
0xb3: {  	[dreg:$0x6] =	wrdreg $0x9  }
0xb4: {  	_ =	task.clear_ibuf [dreg:s8], $0x7FFFF;
	_ =	strace $0x90000046  }
0xb5: {  	s29 =	simm.s32 $0x9;
	_ =	strace $0x80000048  }
0xb6: {  	_ =	swait.ge [sflag:s29], $0x1  }
0xb7: {  	[sflag:s29] =	ssyncadd.s32 $0xFFFFFFFF  }
0xb8: {  	_ =	strace $0x90000048  }
0xb9: {  	_ =	sfence  }
0xba: {  	s30 =	sld [smem:$0x0];
	_ =	sdelay $0x2  }
0xbb: {  	s31 =	sshll.u32 s1, $0xD;
	s1 =	sshrl.u32 s1, $0x2  }
0xbc: {  	s3 =	sand.u32 $0x4000, s31;
	s1 =	sadd.s32 s1, s30  }
0xbd: {  	s0 =	sor.u32 s3, s0;
	s1 =	sshll.u32 s1, $0x11  }
0xbe: {  	s0 =	sor.u32 s1, s0  }
0xbf: {  	s0 =	sadd.s32 $0x8F2B, s0  }
0xc0: {  	[sflag:s0] =	ssyncadd.remote.s32 $0x1  }
0xc1: {  	_ =	sfence.sel $0xFFFF  }
0xc2: {  	[dreg:$0x0] =	wrdreg $0xFFFFFFFF;
	(pc) =	sbr.abs _section_cstart, $3  }
0xc3: {  	[dreg:$0x1] =	wrdreg $0xFFFFFFFF  }
0xc4: {  	_ =	task.clear_ibuf [dreg:s8], $0x2FFFF;
	_ =	strace $0x9FFFFFFF  }
0xc5: {  	(tm) =	ssettm $0x7FFFFFFF  }
tec
execute0_lowered:
.L_overlay_start_1:
0x0: {  	(tag) =	ssettag $0x1  }
0x1: {  	s1 =	rddreg [dreg:$0x0]  }
0x2: {  	s0 =	rddreg [dreg:$0x1]  }
0x3: {  	s2 =	rddreg [dreg:$0x2]  }
0x4: {  	s3 =	rddreg [dreg:$0x3]  }
0x5: {  	s11 =	stileid.u32;
	s4 =	srdreg.scid  }
0x6: {  	s31 =	simm.s32 $0x7;
	s28 =	simm.s32 $0x8500;
	s29 =	simm.s32 $0x1  }
0x7: {  	s30 =	simm.s32 $0x8D00;
	s5 =	smul.u32 $0x280, s11;
	s7 =	sand.u32 $0x1, s4  }
0x8: {  	s4 =	simm.s32 $0x0;
	s9 =	sadd.s32 $0xC00, s2;
	s22 =	smul.u32 $0x2710, s11  }
0x9: {  	s23 =	sshll.u32 s11, $0x6;
	s6 =	smul.u32 $0x138800, s7;
	s8 =	sshll.u32 s7, $0x4  }
0xa: {  	[smem:$0x7FF] =	sst s4;
	s15 =	ssub.s32 $0x2, s7;
	s7 =	smul.u32 $0x27100, s7  }
0xb: {  	s5 =	smin.u32 s5, $0x2490;
	s8 =	sor.u32 s11, s8;
	_ =	strace $0x80000047  }
0xc: {  	[dreg:$0x5] =	wrdreg s9;
	s5 =	sshll.u32 s5, $0x7;
	s8 =	smul.u32 $0x2710, s8  }
0xd: {  	s10 =	sshrl.u32 s15, $0x1;
	s24 =	sadd.s32 s22, s7;
	s6 =	sadd.s32 s6, s5  }
0xe: {  	s7 =	sadd.s32 $0x4E400, s24;
	s6 =	sshrl.u32 s6, $0x3;
	s14 =	sshrl.u32 s8, $0x3  }
0xf: {  	s8 =	ssub.s32 s15, s10;
	s15 =	sor.u32 $0x1C07, s23;
	s25 =	sshrl.u32 s7, $0x3  }
0x10: {  	s23 =	simm.s32 $0x8400;
	s12 =	sadd.s32 s6, s2;
	s6 =	sadd.s32 s0, s14  }
0x11: {  	s2 =	sadd.s32 s14, s2;
	s14 =	sadd.s32 s5, s3;
	s16 =	sadd.s32 $0x9C40, s6  }
0x12: {  	s5 =	sadd.s32 $0x200, s24;
	s17 =	sadd.s32 $0x10, s6;
	[dreg:$0x6] =	wrdreg s16  }
0x13: {  	s9 =	sadd.s32 s25, s0;
	s18 =	sadd.s32 $0x9C50, s6;
	[dreg:$0x7] =	wrdreg s17  }
0x14: {  	s24 =	simm.s32 $0x80;
	s19 =	sadd.s32 $0x20, s6;
	[dreg:$0x8] =	wrdreg s18  }
0x15: {  	s25 =	simm.s32 $0x8480;
	s20 =	sadd.s32 $0x9C60, s6;
	[dreg:$0x9] =	wrdreg s19  }
.Ltmp0:
0x16: {  	s21 =	sadd.s32 $0x30, s6;
	[dreg:$0xa] =	wrdreg s20;
	(pc) =	sbr.rel .LBB2_1-.Ltmp0, $4  }
0x17: {  	s13 =	sadd.s32 $0x9C70, s6;
	s26 =	sshrl.u32 s5, $0x3;
	[dreg:$0xb] =	wrdreg s21  }
0x18: {  	s16 =	sadd.s32 $0x4E0, s6;
	s17 =	sadd.s32 $0xA120, s6;
	s18 =	sadd.s32 $0x3400, s12  }
0x19: {  	s19 =	sadd.s32 $0x51600, s2;
	s20 =	smax.u32 s8, $0x1;
	s8 =	sadd.s32 s26, s0  }
0x1a: {  	v0 =	vimm.f32 $0.0e+00;
	v1 =	vimm.f32 $1.000000000e+00;
	s2 =	simm.s32 $0x3;
	s26 =	simm.s32 $0x10;
	s0 =	simm.s32 $0x0  }
.LBB2_8:
0x1b: {  	[tilespmem:s23], [sflag:$0x7] =	stream.linear.gather [hbm4b:s16+s4], $0x10, $0x38;
	[tilespmem:$0x1ED00] =	vst v63  }
0x1c: {  	_ =	swait.ge [sflag:s31], $0x10  }
0x1d: {  	[sflag:s31] =	ssyncset.done $0x0  }
0x1e: {  	[sflag:s31] =	ssyncadd.s32 $0xFFFFFFF0  }
0x1f: {  	[tilespmem:s25], [sflag:$0x7] =	stream.linear.gather [hbm4b:s17+s4], $0x10, $0x38;
	[tilespmem:$0x1ED00] =	vst v63  }
0x20: {  	_ =	swait.ge [sflag:s31], $0x10  }
0x21: {  	[sflag:s31] =	ssyncset.done $0x0  }
0x22: {  	[sflag:s31] =	ssyncadd.s32 $0xFFFFFFF0  }
0x23: {  	[tilespmem:s28], [sflag:$0x1] =	stream.indirect.gather [hbm4b:s1+s26], $0x80, s23, s26, $0xb8;
	[tilespmem:$0x1ED00] =	vst v63  }
0x24: {  	_ =	swait.ge [sflag:s29], $0x800  }
0x25: {  	[sflag:s29] =	ssyncset.done $0x0  }
0x26: {  	[sflag:s29] =	ssyncadd.s32 $0xFFFFF800  }
0x27: {  	[spmem:s3] =	stream.indirect.scatter.add.f32 [tilespmem:s28], [sflag:$0x7], $0x80, s25, s26, $0xb8;
	[tilespmem:$0x1ED00] =	vst v63  }
0x28: {  	_ =	swait.ge [sflag:s31], $0x800  }
0x29: {  	[sflag:s31] =	ssyncset.done $0x0  }
0x2a: {  	[sflag:s31] =	ssyncadd.s32 $0xFFFFF800  }
0x2b: {  	v2 =	vld [tilespmem:$0x8480];
	_ =	sdelay $0x7  }
0x2c: {  	[tilespmem:v2+s30+$0x0] =	vst.idx.add.f32.msk $0xffff, v1  }
0x2d: {  	[bflag:$0x0] =	sbarrier.arrive $0xFFFF  }
0x2e: {  	[hbm:s18], [sflag:s15] =	dma.local [spmem:s5], $0x2800  }
0x2f: {  	s0 =	sadd.s32 $0x1, s0;
	_ =	swait.ge [sflag:s31], $0x2800  }
0x30: {  	p0 =	sne.s32 s0, s20;
	[sflag:s31] =	ssyncset.done $0x0  }
.Ltmp1:
0x31: {  	[sflag:s31] =	ssyncadd.s32 $0xFFFFD800;
	(pc) =	sbr.rel @!p0 .LBB2_9-.Ltmp1, $4  }
0x32: {  	[hbm4b:s19+s4] =	stream.linear.scatter [tilespmem:s30], [sflag:$0x7], $0x2710, $0x38;
	[tilespmem:$0x1ED00] =	vst v63  }
0x33: {  	_ =	swait.ge [sflag:s31], $0x2710  }
0x34: {  	[sflag:s31] =	ssyncset.done $0x0  }
0x35: {  	[sflag:s31] =	ssyncadd.s32 $0xFFFFD8F0  }
.LBB2_1:
0x36: {  	[tilespmem:s4], [sflag:$0x3] =	stream.linear.gather [hbm4b:s6+s4], $0x80, $0x38;
	[tilespmem:$0x1ED00] =	vst v63  }
0x37: {  	s5 =	rddreg [dreg:$0x6];
	s7 =	simm.s32 $0x200  }
0x38: {  	[tilespmem:s7], [sflag:$0x3] =	stream.linear.gather [hbm4b:s5+s4], $0x80, $0x38;
	[tilespmem:$0x1ED00] =	vst v63  }
0x39: {  	s10 =	rddreg [dreg:$0x7]  }
0x3a: {  	[tilespmem:s24], [sflag:$0x4] =	stream.linear.gather [hbm4b:s10+s4], $0x80, $0x38;
	[tilespmem:$0x1ED00] =	vst v63  }
0x3b: {  	s11 =	rddreg [dreg:$0x8];
	s12 =	simm.s32 $0x280  }
0x3c: {  	[tilespmem:s12], [sflag:$0x4] =	stream.linear.gather [hbm4b:s11+s4], $0x80, $0x38;
	[tilespmem:$0x1ED00] =	vst v63  }
0x3d: {  	s21 =	rddreg [dreg:$0x9];
	s22 =	simm.s32 $0x100  }
0x3e: {  	[tilespmem:s22], [sflag:$0x5] =	stream.linear.gather [hbm4b:s21+s4], $0x80, $0x38;
	[tilespmem:$0x1ED00] =	vst v63  }
0x3f: {  	s7 =	rddreg [dreg:$0xa];
	s10 =	simm.s32 $0x300  }
0x40: {  	[tilespmem:s10], [sflag:$0x5] =	stream.linear.gather [hbm4b:s7+s4], $0x80, $0x38;
	[tilespmem:$0x1ED00] =	vst v63  }
0x41: {  	s11 =	rddreg [dreg:$0xb];
	s12 =	simm.s32 $0x180  }
0x42: {  	[tilespmem:s12], [sflag:$0x6] =	stream.linear.gather [hbm4b:s11+s4], $0x80, $0x38;
	[tilespmem:$0x1ED00] =	vst v63  }
0x43: {  	s5 =	sshrl.u32 s14, $0x3;
	s21 =	simm.s32 $0x380;
	s22 =	rddreg [dreg:$0x5]  }
0x44: {  	[tilespmem:s21], [sflag:$0x6] =	stream.linear.gather [hbm4b:s13+s4], $0x80, $0x38;
	[tilespmem:$0x1ED00] =	vst v63  }
0x45: {  	[spmem:s5], [sflag:s15] =	dma.local [hbm:s22], $0x2800  }
0x46: {  	_ =	swait.ge [sflag:s31], $0x2800  }
0x47: {  	[sflag:s31] =	ssyncset.done $0x0  }
0x48: {  	s7 =	simm.s32 $0x40;
	s21 =	simm.s32 $0x0;
	[sflag:s31] =	ssyncadd.s32 $0xFFFFD800  }
.LBB2_2:
0x49: {  	p0 =	sne.s32 s7, $0x9C00;
	[tilespmem:s21+$0x8D00] =	vst v0;
	s10 =	smov.u32 s7;
	s7 =	sadd.s32 $0x40, s7  }
.Ltmp2:
0x4a: {  	(pc) =	sbr.rel @p0 .LBB2_2-.Ltmp2, $2  }
0x4b: {  	_ =	sdelay $0x2  }
0x4c: {  	s21 =	sshra.s32 s10, $0x2  }
0x4d: {  	[tilespmem:s21+$0x8D00] =	vst v0  }
0x4e: {  	_ =	swait.ge [sflag:s2], $0x80  }
0x4f: {  	[sflag:s2] =	ssyncset.done $0x0  }
0x50: {  	[sflag:s2] =	ssyncadd.s32 $0xFFFFFF80  }
0x51: {  	_ =	swait.ge [sflag:s2], $0x80  }
.Ltmp3:
0x52: {  	[sflag:s2] =	ssyncset.done $0x0;
	(pc) =	sbr.rel .LBB2_4-.Ltmp3, $4  }
0x53: {  	s7 =	simm.s32 $0x0;
	s10 =	simm.s32 $0x400;
	[sflag:s2] =	ssyncadd.s32 $0xFFFFFF80  }
0x54: {  	[tilespmem:s10], [sflag:$0x1] =	stream.indirect.gather [hbm4b:s1+s24], $0x80, s7, s24, $0xb8;
	[tilespmem:$0x1ED00] =	vst v63  }
0x55: {  	[bflag:$0x0] =	sbarrier.arrive $0xFFFF  }
0x56: {  	s22 =	smov.u32 s8;
	s21 =	smov.u32 s9  }
.LBB2_6:
0x57: {  	p0 =	seq.s32 s10, $0x2  }
0x58: {  	s10 =	simm.s32 @p0 $0x1  }
0x59: {  	p1 =	seq.s32 @p0 s7, $0x4D;
	_ =	swait.ge @p0 [sflag:s10], $0x4000  }
0x5a: {  	p1 =	por p1, !p0;
	[sflag:s10] =	ssyncset.done @p0 $0x0  }
0x5b: {  	[sflag:s10] =	ssyncadd.s32 @p0 $0xFFFFC000;
	s10 =	simm.s32 @!p1 $0x6  }
0x5c: {  	_ =	swait.ge @!p1 [sflag:s10], $0x80  }
0x5d: {  	[sflag:s10] =	ssyncset.done @!p1 $0x0  }
0x5e: {  	[sflag:s10] =	ssyncadd.s32 @!p1 $0xFFFFFF80  }
0x5f: {  	_ =	swait.ge @!p1 [sflag:s10], $0x80  }
0x60: {  	s11 =	simm.s32 @!p1 $0x180;
	[sflag:s10] =	ssyncset.done @!p1 $0x0  }
0x61: {  	s12 =	simm.s32 @!p1 $0x4400;
	[sflag:s10] =	ssyncadd.s32 @!p1 $0xFFFFFF80;
	s10 =	simm.s32 @!p1 $0x80  }
0x62: {  	[tilespmem:s12], [sflag:$0x2] =	stream.indirect.gather @!p1 [hbm4b:s1+s10], $0x80, s11, s10, $0xb8;
	[tilespmem:$0x1ED00] =	vst v63  }
0x63: {  	s10 =	simm.s32 @p0 $0x80;
	s11 =	simm.s32 @p0 $0x300;
	s12 =	simm.s32 @p0 $0x400  }
0x64: {  	[spmem:s3] =	stream.indirect.scatter.add.f32 @p0 [tilespmem:s12], [sflag:$0x7], $0x80, s11, s10, $0xb8;
	[tilespmem:$0x1ED00] =	vst v63  }
0x65: {  	s10 =	simm.s32 @p0 $0x7  }
0x66: {  	_ =	swait.ge @p0 [sflag:s10], $0x4000  }
0x67: {  	[sflag:s10] =	ssyncset.done @p0 $0x0  }
0x68: {  	[sflag:s10] =	ssyncadd.s32 @p0 $0xFFFFC000  }
0x69: {  	v2 =	vld @p0 [tilespmem:$0x300];
	_ =	sdelay $0x6  }
0x6a: {  	v3 =	vimm.f32 @p0 $1.000000000e+00;
	s10 =	simm.s32 @p0 $0x8D00  }
0x6b: {  	[tilespmem:v2+s10+$0x0] =	vst.idx.add.f32.msk @p0 $0xffff, v3  }
0x6c: {  	v2 =	vld @p0 [tilespmem:$0x310];
	_ =	sdelay $0x7  }
0x6d: {  	[tilespmem:v2+s10+$0x0] =	vst.idx.add.f32.msk @p0 $0xffff, v3  }
0x6e: {  	v2 =	vld @p0 [tilespmem:$0x320];
	_ =	sdelay $0x7  }
0x6f: {  	[tilespmem:v2+s10+$0x0] =	vst.idx.add.f32.msk @p0 $0xffff, v3  }
0x70: {  	v2 =	vld @p0 [tilespmem:$0x330];
	_ =	sdelay $0x7  }
0x71: {  	[tilespmem:v2+s10+$0x0] =	vst.idx.add.f32.msk @p0 $0xffff, v3  }
0x72: {  	v2 =	vld @p0 [tilespmem:$0x340];
	_ =	sdelay $0x7  }
0x73: {  	[tilespmem:v2+s10+$0x0] =	vst.idx.add.f32.msk @p0 $0xffff, v3  }
0x74: {  	v2 =	vld @p0 [tilespmem:$0x350];
	_ =	sdelay $0x7  }
0x75: {  	[tilespmem:v2+s10+$0x0] =	vst.idx.add.f32.msk @p0 $0xffff, v3  }
0x76: {  	v2 =	vld @p0 [tilespmem:$0x360];
	_ =	sdelay $0x7  }
0x77: {  	[tilespmem:v2+s10+$0x0] =	vst.idx.add.f32.msk @p0 $0xffff, v3  }
0x78: {  	v2 =	vld @p0 [tilespmem:$0x370];
	_ =	sdelay $0x5  }
0x79: {  	p1 =	sgt.u32 @p0 s7, $0x49  }
0x7a: {  	p1 =	por p1, !p0  }
0x7b: {  	s11 =	simm.s32 @!p1 $0x100;
	[tilespmem:v2+s10+$0x0] =	vst.idx.add.f32.msk @p0 $0xffff, v3;
	s10 =	simm.s32 @!p1 $0x0  }
0x7c: {  	[tilespmem:s11], [sflag:$0x5] =	stream.linear.gather @!p1 [hbm4b:s22+s10], $0x80, $0x38;
	[tilespmem:$0x1ED00] =	vst v63  }
0x7d: {  	s11 =	simm.s32 @!p1 $0x300  }
0x7e: {  	[tilespmem:s11], [sflag:$0x5] =	stream.linear.gather @!p1 [hbm4b:s21+s10], $0x80, $0x38;
	[tilespmem:$0x1ED00] =	vst v63  }
0x7f: {  	s10 =	simm.s32 @!p0 $0x2  }
0x80: {  	p1 =	seq.s32 @!p0 s7, $0x4D;
	_ =	swait.ge @!p0 [sflag:s10], $0x4000  }
0x81: {  	p1 =	por p1, p0;
	[sflag:s10] =	ssyncset.done @!p0 $0x0  }
0x82: {  	[sflag:s10] =	ssyncadd.s32 @!p0 $0xFFFFC000;
	s10 =	simm.s32 @!p1 $0x3  }
0x83: {  	_ =	swait.ge @!p1 [sflag:s10], $0x80  }
0x84: {  	[sflag:s10] =	ssyncset.done @!p1 $0x0  }
0x85: {  	[sflag:s10] =	ssyncadd.s32 @!p1 $0xFFFFFF80  }
0x86: {  	_ =	swait.ge @!p1 [sflag:s10], $0x80  }
0x87: {  	s11 =	simm.s32 @!p1 $0x0;
	[sflag:s10] =	ssyncset.done @!p1 $0x0  }
0x88: {  	s12 =	simm.s32 @!p1 $0x400;
	[sflag:s10] =	ssyncadd.s32 @!p1 $0xFFFFFF80;
	s10 =	simm.s32 @!p1 $0x80  }
0x89: {  	[tilespmem:s12], [sflag:$0x1] =	stream.indirect.gather @!p1 [hbm4b:s1+s10], $0x80, s11, s10, $0xb8;
	[tilespmem:$0x1ED00] =	vst v63  }
0x8a: {  	s10 =	simm.s32 @!p0 $0x80;
	s11 =	simm.s32 @!p0 $0x380;
	s12 =	simm.s32 @!p0 $0x4400  }
0x8b: {  	[spmem:s3] =	stream.indirect.scatter.add.f32 @!p0 [tilespmem:s12], [sflag:$0x7], $0x80, s11, s10, $0xb8;
	[tilespmem:$0x1ED00] =	vst v63  }
0x8c: {  	s10 =	simm.s32 @!p0 $0x7  }
0x8d: {  	_ =	swait.ge @!p0 [sflag:s10], $0x4000  }
0x8e: {  	[sflag:s10] =	ssyncset.done @!p0 $0x0  }
0x8f: {  	[sflag:s10] =	ssyncadd.s32 @!p0 $0xFFFFC000  }
0x90: {  	v2 =	vld @!p0 [tilespmem:$0x380];
	_ =	sdelay $0x6  }
0x91: {  	v3 =	vimm.f32 @!p0 $1.000000000e+00;
	s10 =	simm.s32 @!p0 $0x8D00  }
0x92: {  	[tilespmem:v2+s10+$0x0] =	vst.idx.add.f32.msk @!p0 $0xffff, v3  }
0x93: {  	v2 =	vld @!p0 [tilespmem:$0x390];
	_ =	sdelay $0x7  }
0x94: {  	[tilespmem:v2+s10+$0x0] =	vst.idx.add.f32.msk @!p0 $0xffff, v3  }
0x95: {  	v2 =	vld @!p0 [tilespmem:$0x3A0];
	_ =	sdelay $0x7  }
0x96: {  	[tilespmem:v2+s10+$0x0] =	vst.idx.add.f32.msk @!p0 $0xffff, v3  }
0x97: {  	v2 =	vld @!p0 [tilespmem:$0x3B0];
	_ =	sdelay $0x7  }
0x98: {  	[tilespmem:v2+s10+$0x0] =	vst.idx.add.f32.msk @!p0 $0xffff, v3  }
0x99: {  	v2 =	vld @!p0 [tilespmem:$0x3C0];
	_ =	sdelay $0x7  }
0x9a: {  	[tilespmem:v2+s10+$0x0] =	vst.idx.add.f32.msk @!p0 $0xffff, v3  }
0x9b: {  	v2 =	vld @!p0 [tilespmem:$0x3D0];
	_ =	sdelay $0x7  }
0x9c: {  	[tilespmem:v2+s10+$0x0] =	vst.idx.add.f32.msk @!p0 $0xffff, v3  }
0x9d: {  	v2 =	vld @!p0 [tilespmem:$0x3E0];
	_ =	sdelay $0x7  }
0x9e: {  	[tilespmem:v2+s10+$0x0] =	vst.idx.add.f32.msk @!p0 $0xffff, v3  }
0x9f: {  	v2 =	vld @!p0 [tilespmem:$0x3F0];
	_ =	sdelay $0x5  }
0xa0: {  	p1 =	sgt.u32 @!p0 s7, $0x49  }
0xa1: {  	p1 =	por p1, p0  }
0xa2: {  	s11 =	simm.s32 @!p1 $0x180;
	[tilespmem:v2+s10+$0x0] =	vst.idx.add.f32.msk @!p0 $0xffff, v3;
	s10 =	simm.s32 @!p1 $0x0  }
0xa3: {  	[tilespmem:s11], [sflag:$0x6] =	stream.linear.gather @!p1 [hbm4b:s22+s10], $0x80, $0x38;
	[tilespmem:$0x1ED00] =	vst v63  }
0xa4: {  	s11 =	simm.s32 @!p1 $0x380  }
0xa5: {  	[tilespmem:s11], [sflag:$0x6] =	stream.linear.gather @!p1 [hbm4b:s21+s10], $0x80, $0x38;
	[tilespmem:$0x1ED00] =	vst v63  }
.LBB2_7:
0xa6: {  	s7 =	sadd.s32 $0x1, s7  }
0xa7: {  	p0 =	sne.s32 s7, $0x4E  }
.Ltmp4:
0xa8: {  	_ = 	snop;
	(pc) =	sbr.rel @!p0 .LBB2_8-.Ltmp4, $2  }
0xa9: {  	_ =	sdelay $0x2  }
0xaa: {  	s21 =	sadd.s32 $0x10, s21;
	s22 =	sadd.s32 $0x10, s22  }
.LBB2_4:
0xab: {  	s10 =	sand.u32 $0x3, s7  }
0xac: {  	p0 =	sgt.s32 s10, $0x1  }
.Ltmp5:
0xad: {  	_ = 	snop;
	(pc) =	sbr.rel @p0 .LBB2_6-.Ltmp5, $1  }
0xae: {  	_ =	sdelay $0x3  }
0xaf: {  	p0 =	seq.s32 s10, $0x0  }
0xb0: {  	s10 =	simm.s32 @p0 $0x1  }
0xb1: {  	p1 =	seq.s32 @p0 s7, $0x4D;
	_ =	swait.ge @p0 [sflag:s10], $0x4000  }
0xb2: {  	p1 =	por p1, !p0;
	[sflag:s10] =	ssyncset.done @p0 $0x0  }
0xb3: {  	[sflag:s10] =	ssyncadd.s32 @p0 $0xFFFFC000;
	s10 =	simm.s32 @!p1 $0x4  }
0xb4: {  	_ =	swait.ge @!p1 [sflag:s10], $0x80  }
0xb5: {  	[sflag:s10] =	ssyncset.done @!p1 $0x0  }
0xb6: {  	[sflag:s10] =	ssyncadd.s32 @!p1 $0xFFFFFF80  }
0xb7: {  	_ =	swait.ge @!p1 [sflag:s10], $0x80  }
0xb8: {  	[sflag:s10] =	ssyncset.done @!p1 $0x0  }
0xb9: {  	s11 =	simm.s32 @!p1 $0x4400;
	[sflag:s10] =	ssyncadd.s32 @!p1 $0xFFFFFF80;
	s10 =	simm.s32 @!p1 $0x80  }
0xba: {  	[tilespmem:s11], [sflag:$0x2] =	stream.indirect.gather @!p1 [hbm4b:s1+s10], $0x80, s10, s10, $0xb8;
	[tilespmem:$0x1ED00] =	vst v63  }
0xbb: {  	s12 =	simm.s32 @p0 $0x400;
	s10 =	simm.s32 @p0 $0x80;
	s11 =	simm.s32 @p0 $0x200  }
0xbc: {  	[spmem:s3] =	stream.indirect.scatter.add.f32 @p0 [tilespmem:s12], [sflag:$0x7], $0x80, s11, s10, $0xb8;
	[tilespmem:$0x1ED00] =	vst v63  }
0xbd: {  	s10 =	simm.s32 @p0 $0x7  }
0xbe: {  	_ =	swait.ge @p0 [sflag:s10], $0x4000  }
0xbf: {  	[sflag:s10] =	ssyncset.done @p0 $0x0  }
0xc0: {  	[sflag:s10] =	ssyncadd.s32 @p0 $0xFFFFC000  }
0xc1: {  	v2 =	vld @p0 [tilespmem:$0x200];
	_ =	sdelay $0x6  }
0xc2: {  	v3 =	vimm.f32 @p0 $1.000000000e+00;
	s10 =	simm.s32 @p0 $0x8D00  }
0xc3: {  	[tilespmem:v2+s10+$0x0] =	vst.idx.add.f32.msk @p0 $0xffff, v3  }
0xc4: {  	v2 =	vld @p0 [tilespmem:$0x210];
	_ =	sdelay $0x7  }
0xc5: {  	[tilespmem:v2+s10+$0x0] =	vst.idx.add.f32.msk @p0 $0xffff, v3  }
0xc6: {  	v2 =	vld @p0 [tilespmem:$0x220];
	_ =	sdelay $0x7  }
0xc7: {  	[tilespmem:v2+s10+$0x0] =	vst.idx.add.f32.msk @p0 $0xffff, v3  }
0xc8: {  	v2 =	vld @p0 [tilespmem:$0x230];
	_ =	sdelay $0x7  }
0xc9: {  	[tilespmem:v2+s10+$0x0] =	vst.idx.add.f32.msk @p0 $0xffff, v3  }
0xca: {  	v2 =	vld @p0 [tilespmem:$0x240];
	_ =	sdelay $0x7  }
0xcb: {  	[tilespmem:v2+s10+$0x0] =	vst.idx.add.f32.msk @p0 $0xffff, v3  }
0xcc: {  	v2 =	vld @p0 [tilespmem:$0x250];
	_ =	sdelay $0x7  }
0xcd: {  	[tilespmem:v2+s10+$0x0] =	vst.idx.add.f32.msk @p0 $0xffff, v3  }
0xce: {  	v2 =	vld @p0 [tilespmem:$0x260];
	_ =	sdelay $0x7  }
0xcf: {  	[tilespmem:v2+s10+$0x0] =	vst.idx.add.f32.msk @p0 $0xffff, v3  }
0xd0: {  	v2 =	vld @p0 [tilespmem:$0x270];
	_ =	sdelay $0x5  }
0xd1: {  	p1 =	sgt.u32 @p0 s7, $0x49  }
0xd2: {  	p1 =	por p1, !p0  }
0xd3: {  	[tilespmem:v2+s10+$0x0] =	vst.idx.add.f32.msk @p0 $0xffff, v3;
	s10 =	simm.s32 @!p1 $0x0  }
0xd4: {  	[tilespmem:s10], [sflag:$0x3] =	stream.linear.gather @!p1 [hbm4b:s22+s10], $0x80, $0x38;
	[tilespmem:$0x1ED00] =	vst v63  }
0xd5: {  	s11 =	simm.s32 @!p1 $0x200  }
0xd6: {  	[tilespmem:s11], [sflag:$0x3] =	stream.linear.gather @!p1 [hbm4b:s21+s10], $0x80, $0x38;
	[tilespmem:$0x1ED00] =	vst v63  }
0xd7: {  	s10 =	simm.s32 @!p0 $0x2  }
0xd8: {  	p1 =	seq.s32 @!p0 s7, $0x4D;
	_ =	swait.ge @!p0 [sflag:s10], $0x4000  }
0xd9: {  	p1 =	por p1, p0;
	[sflag:s10] =	ssyncset.done @!p0 $0x0  }
0xda: {  	[sflag:s10] =	ssyncadd.s32 @!p0 $0xFFFFC000;
	s10 =	simm.s32 @!p1 $0x5  }
0xdb: {  	_ =	swait.ge @!p1 [sflag:s10], $0x80  }
0xdc: {  	[sflag:s10] =	ssyncset.done @!p1 $0x0  }
0xdd: {  	[sflag:s10] =	ssyncadd.s32 @!p1 $0xFFFFFF80  }
0xde: {  	_ =	swait.ge @!p1 [sflag:s10], $0x80  }
0xdf: {  	s11 =	simm.s32 @!p1 $0x100;
	[sflag:s10] =	ssyncset.done @!p1 $0x0  }
0xe0: {  	s12 =	simm.s32 @!p1 $0x400;
	[sflag:s10] =	ssyncadd.s32 @!p1 $0xFFFFFF80;
	s10 =	simm.s32 @!p1 $0x80  }
0xe1: {  	[tilespmem:s12], [sflag:$0x1] =	stream.indirect.gather @!p1 [hbm4b:s1+s10], $0x80, s11, s10, $0xb8;
	[tilespmem:$0x1ED00] =	vst v63  }
0xe2: {  	s10 =	simm.s32 @!p0 $0x80;
	s11 =	simm.s32 @!p0 $0x280;
	s12 =	simm.s32 @!p0 $0x4400  }
0xe3: {  	[spmem:s3] =	stream.indirect.scatter.add.f32 @!p0 [tilespmem:s12], [sflag:$0x7], $0x80, s11, s10, $0xb8;
	[tilespmem:$0x1ED00] =	vst v63  }
0xe4: {  	s10 =	simm.s32 @!p0 $0x7  }
0xe5: {  	_ =	swait.ge @!p0 [sflag:s10], $0x4000  }
0xe6: {  	[sflag:s10] =	ssyncset.done @!p0 $0x0  }
0xe7: {  	[sflag:s10] =	ssyncadd.s32 @!p0 $0xFFFFC000  }
0xe8: {  	v2 =	vld @!p0 [tilespmem:$0x280];
	_ =	sdelay $0x6  }
0xe9: {  	v3 =	vimm.f32 @!p0 $1.000000000e+00;
	s10 =	simm.s32 @!p0 $0x8D00  }
0xea: {  	[tilespmem:v2+s10+$0x0] =	vst.idx.add.f32.msk @!p0 $0xffff, v3  }
0xeb: {  	v2 =	vld @!p0 [tilespmem:$0x290];
	_ =	sdelay $0x7  }
0xec: {  	[tilespmem:v2+s10+$0x0] =	vst.idx.add.f32.msk @!p0 $0xffff, v3  }
0xed: {  	v2 =	vld @!p0 [tilespmem:$0x2A0];
	_ =	sdelay $0x7  }
0xee: {  	[tilespmem:v2+s10+$0x0] =	vst.idx.add.f32.msk @!p0 $0xffff, v3  }
0xef: {  	v2 =	vld @!p0 [tilespmem:$0x2B0];
	_ =	sdelay $0x7  }
0xf0: {  	[tilespmem:v2+s10+$0x0] =	vst.idx.add.f32.msk @!p0 $0xffff, v3  }
0xf1: {  	v2 =	vld @!p0 [tilespmem:$0x2C0];
	_ =	sdelay $0x7  }
0xf2: {  	[tilespmem:v2+s10+$0x0] =	vst.idx.add.f32.msk @!p0 $0xffff, v3  }
0xf3: {  	v2 =	vld @!p0 [tilespmem:$0x2D0];
	_ =	sdelay $0x7  }
0xf4: {  	[tilespmem:v2+s10+$0x0] =	vst.idx.add.f32.msk @!p0 $0xffff, v3  }
0xf5: {  	v2 =	vld @!p0 [tilespmem:$0x2E0];
	_ =	sdelay $0x7  }
0xf6: {  	[tilespmem:v2+s10+$0x0] =	vst.idx.add.f32.msk @!p0 $0xffff, v3  }
0xf7: {  	v2 =	vld @!p0 [tilespmem:$0x2F0];
	_ =	sdelay $0x5  }
0xf8: {  	p1 =	sgt.u32 @!p0 s7, $0x49  }
.Ltmp6:
0xf9: {  	p1 =	por p1, p0;
	(pc) =	sbr.rel .LBB2_7-.Ltmp6, $4  }
0xfa: {  	s11 =	simm.s32 @!p1 $0x80;
	[tilespmem:v2+s10+$0x0] =	vst.idx.add.f32.msk @!p0 $0xffff, v3;
	s10 =	simm.s32 @!p1 $0x0  }
0xfb: {  	[tilespmem:s11], [sflag:$0x4] =	stream.linear.gather @!p1 [hbm4b:s22+s10], $0x80, $0x38;
	[tilespmem:$0x1ED00] =	vst v63  }
0xfc: {  	s11 =	simm.s32 @!p1 $0x280  }
0xfd: {  	[tilespmem:s11], [sflag:$0x4] =	stream.linear.gather @!p1 [hbm4b:s21+s10], $0x80, $0x38;
	[tilespmem:$0x1ED00] =	vst v63  }
.LBB2_9:
0xfe: {  	_ =	sfence.sel $0x180000  }
0xff: {  	[bflag:$0x0] =	sbarrier.arrive $0xFFFF  }
0x100: {  	_ =	strace $0x90000047  }
0x101: {  	s0 =	stileid.u32;
	[bflag:$0x2] =	sbarrier.arrive $0xFFFF  }
0x102: {  	p0 =	sne.s32 s0, $0x0;
	s0 =	rddreg [dreg:$0x4]  }
0x103: {  	s0 =	sadd.s32 @!p0 $0x100000, s0  }
0x104: {  	[sflag:s0] =	ssyncadd.tile.s32 @!p0 $0x1;
	_ =	shalt  }
.Lfunc_end2:
_tile_overlayer_lowered:
.L_overlay_start_2:
0x105: {  	(tag) =	ssettag $0x2  }
0x106: {  	s0 =	rddreg [dreg:$0x0];
	s2 =	stileid.u32  }
0x107: {  	s1 =	rddreg [dreg:$0x1];
	p0 =	sne.s32 s2, $0x0  }
0x108: {  	s3 =	rddreg [dreg:$0x2];
	[bflag:$0x3] =	sbarrier.arrive $0xFFFF;
	s2 =	simm.s32 @!p0 $0x1C07  }
0x109: {  	[timem:s3], [sflag:s2] =	dma.local @!p0 [hbm:s0], s1  }
0x10a: {  	s0 =	simm.s32 @!p0 $0x7  }
0x10b: {  	_ =	swait.ge @!p0 [sflag:s0], s1  }
0x10c: {  	s1 =	ssub.s32 @!p0 $0x0, s1;
	[sflag:s0] =	ssyncset.done @!p0 $0x0  }
0x10d: {  	[sflag:s0] =	ssyncadd.s32 @!p0 s1  }
0x10e: {  	[bflag:$0x3] =	sbarrier.arrive $0xFFFF  }
0x10f: {  	_ =	shalt  }

</sc_bundles>
